<compile_context>
chip_gen: v7x
topology: tpu7x:2x2x1
jax: 0.10.2.dev20260603
libtpu: 0.0.44.dev20260713+nightly
codegen_flags: <defaults>
</compile_context>

<pallas_src>
import functools

import jax
import jax.numpy as jnp
from jax import lax
from jax.experimental import pallas as pl
from jax.experimental.pallas import tpu as pltpu
from jax.experimental.pallas import tpu_sc as plsc

_D, _H, _E, _K, _NH, _HD, _B, _S, _OUT = 768, 2048, 8, 2, 12, 64, 2, 2048, 768
_T = _B * _S
_NPAIR = _T * _K
_BT = 256
_PADT = _NPAIR + _E * _BT
_NB = _PADT // _BT
_NW = 32
_PPW = _NPAIR // _NW
_CH = 128
_PW = 128


def _gelu_exact(z):
    return 0.5 * z * (1.0 + jax.lax.erf(z * (2.0 ** -0.5)))


def _ln2d(z, g, b):
    m = jnp.mean(z, axis=-1, keepdims=True)
    c = z - m
    v = jnp.mean(c * c, axis=-1, keepdims=True)
    return c * jax.lax.rsqrt(v + 1e-5) * g + b



def _ln_qkv_body(x_ref, w_ref, b_ref, g_ref, be_ref, o_ref):
    h = _ln2d(x_ref[...], g_ref[...], be_ref[...])
    o_ref[...] = (
        jnp.dot(h, w_ref[...], preferred_element_type=jnp.float32) + b_ref[...]
    )


def _ln_qkv(x2d, Wqkv, bqkv, g1, be1):
    TB = 512
    return pl.pallas_call(
        _ln_qkv_body,
        grid=(_T // TB,),
        in_specs=[
            pl.BlockSpec((TB, _D), lambda i: (i, 0)),
            pl.BlockSpec((_D, 3 * _D), lambda i: (0, 0)),
            pl.BlockSpec((1, 3 * _D), lambda i: (0, 0)),
            pl.BlockSpec((1, _D), lambda i: (0, 0)),
            pl.BlockSpec((1, _D), lambda i: (0, 0)),
        ],
        out_specs=pl.BlockSpec((TB, 3 * _D), lambda i: (i, 0)),
        out_shape=jax.ShapeDtypeStruct((_T, 3 * _D), jnp.float32),
    )(x2d, Wqkv, bqkv.reshape(1, -1), g1.reshape(1, -1), be1.reshape(1, -1))



_QB = 2048


def _attn_body(q_ref, k_ref, v_ref, o_ref):
    scale = _HD ** -0.5
    outs = []
    for hh in range(2):
        q = q_ref[:, hh * _HD:(hh + 1) * _HD] * scale
        k = k_ref[:, hh * _HD:(hh + 1) * _HD]
        v = v_ref[:, hh * _HD:(hh + 1) * _HD]
        s = lax.dot_general(
            q, k, (((1,), (1,)), ((), ())), preferred_element_type=jnp.float32
        )
        p = jnp.exp(s)
        v_aug = jnp.concatenate(
            [v, jnp.ones((v.shape[0], 1), jnp.float32)], axis=1)
        o_aug = lax.dot_general(
            p, v_aug, (((1,), (0,)), ((), ())),
            preferred_element_type=jnp.float32,
        )
        outs.append(o_aug[:, :_HD] * (1.0 / o_aug[:, _HD:_HD + 1]))
    o_ref[...] = jnp.concatenate(outs, axis=1)


def _attention(qkv):
    NQ = _S // _QB
    return pl.pallas_call(
        _attn_body,
        grid=(_B, _NH // 2, NQ),
        in_specs=[
            pl.BlockSpec((_QB, 128), lambda b, j, i: (b * NQ + i, j)),
            pl.BlockSpec((_S, 128), lambda b, j, i: (b, 6 + j)),
            pl.BlockSpec((_S, 128), lambda b, j, i: (b, 12 + j)),
        ],
        out_specs=pl.BlockSpec((_QB, 128), lambda b, j, i: (b * NQ + i, j)),
        out_shape=jax.ShapeDtypeStruct((_T, _D), jnp.float32),
    )(qkv, qkv, qkv)



_TBP = 512
_NPB = _T // _TBP


def _proj_body(att_ref, wo_ref, bo_ref, x_ref, g2_ref, be2_ref, wg_ref, bg_ref,
               h2_ref, pos_ref, gw_ref, bexp_ref, cnt_ref, aoff_ref, x2s_ref,
               gates_sc, oh_sc, c_sc, accx0, accx1):
    i = pl.program_id(0)
    nb_half = _NPB // 2

    @pl.when(i < _NPB)
    def _():
        a = jnp.dot(att_ref[...], wo_ref[...],
                    preferred_element_type=jnp.float32)
        x2 = x_ref[...] + a + bo_ref[...]
        h2 = _ln2d(x2, g2_ref[...], be2_ref[...])
        gates = (
            jnp.dot(h2, wg_ref[...], preferred_element_type=jnp.float32,
                    precision=jax.lax.Precision.HIGHEST)
            + bg_ref[...]
        )
        h2_ref[...] = h2
        gates_sc[pl.ds(i * _TBP, _TBP), :] = gates
        s = jnp.sum(x2, axis=0, keepdims=True)

        @pl.when(i == 0)
        def _():
            accx0[...] = s

        @pl.when(jnp.logical_and(i > 0, i < nb_half))
        def _():
            accx0[...] += s

        @pl.when(i == nb_half)
        def _():
            accx1[...] = s

        @pl.when(i > nb_half)
        def _():
            accx1[...] += s

    @pl.when(i == _NPB)
    def _():
        _routing_body(gates_sc, pos_ref, gw_ref, bexp_ref, cnt_ref, aoff_ref,
                      oh_sc, c_sc)
        x2s_ref[...] = jnp.concatenate([accx0[...], accx1[...]], axis=0)


def _proj_ln_gate(att2d, Wo, bo, x2d, g2, be2, Wg, bg):
    TB = _TBP
    bmap = lambda i: (jnp.minimum(i, _NPB - 1), 0)
    return pl.pallas_call(
        _proj_body,
        grid=(_NPB + 1,),
        in_specs=[
            pl.BlockSpec((TB, _D), bmap),
            pl.BlockSpec((_D, _D), lambda i: (0, 0)),
            pl.BlockSpec((1, _D), lambda i: (0, 0)),
            pl.BlockSpec((TB, _D), bmap),
            pl.BlockSpec((1, _D), lambda i: (0, 0)),
            pl.BlockSpec((1, _D), lambda i: (0, 0)),
            pl.BlockSpec((_D, _E), lambda i: (0, 0)),
            pl.BlockSpec((1, _E), lambda i: (0, 0)),
        ],
        out_specs=[
            pl.BlockSpec((TB, _D), bmap),
            pl.BlockSpec((_T, _K), lambda i: (0, 0)),
            pl.BlockSpec((_T, 2 * _PW), lambda i: (0, 0)),
            pl.BlockSpec((_NB, 1), lambda i: (0, 0)),
            pl.BlockSpec((1, _E), lambda i: (0, 0)),
            pl.BlockSpec((1, _E), lambda i: (0, 0)),
            pl.BlockSpec((_B, _D), lambda i: (0, 0)),
        ],
        out_shape=[
            jax.ShapeDtypeStruct((_T, _D), jnp.float32),
            jax.ShapeDtypeStruct((_T, _K), jnp.int32),
            jax.ShapeDtypeStruct((_T, 2 * _PW), jnp.float32),
            jax.ShapeDtypeStruct((_NB, 1), jnp.int32),
            jax.ShapeDtypeStruct((1, _E), jnp.int32),
            jax.ShapeDtypeStruct((1, _E), jnp.int32),
            jax.ShapeDtypeStruct((_B, _D), jnp.float32),
        ],
        scratch_shapes=[
            pltpu.VMEM((_T, _E), jnp.float32),
            pltpu.VMEM((_T, _E), jnp.float32),
            pltpu.VMEM((_T, _E), jnp.float32),
            pltpu.VMEM((1, _D), jnp.float32),
            pltpu.VMEM((1, _D), jnp.float32),
        ],
    )(att2d, Wo, bo.reshape(1, -1), x2d, g2.reshape(1, -1), be2.reshape(1, -1),
      Wg, bg.reshape(1, -1))



def _routing_body(gates_ref, pos_ref, gwb_ref, bexp_ref, cnt_ref, aoff_ref,
                  oh_sc, c_sc):
    g = gates_ref[...]
    iota_e = lax.broadcasted_iota(jnp.int32, (_T, _E), 1)
    m1 = jnp.max(g, axis=1, keepdims=True)
    i1 = jnp.min(jnp.where(g == m1, iota_e, _E), axis=1, keepdims=True)
    gx = jnp.where(iota_e == i1, -jnp.inf, g)
    m2 = jnp.max(gx, axis=1, keepdims=True)
    i2 = jnp.min(jnp.where(gx == m2, iota_e, _E), axis=1, keepdims=True)
    t = jnp.exp(m2 - m1)
    p1 = 1.0 / (1.0 + t)
    p2 = t / (1.0 + t)
    oh0 = (iota_e == i1).astype(jnp.float32)
    oh1 = (iota_e == i2).astype(jnp.float32)
    oh_sc[...] = oh0 + oh1

    CB = 128
    bi = lax.broadcasted_iota(jnp.int32, (CB, CB), 0)
    bj = lax.broadcasted_iota(jnp.int32, (CB, CB), 1)
    ls = (bi > bj).astype(jnp.float32)

    def body(i, off):
        blk = oh_sc[pl.ds(i * CB, CB), :]
        c_sc[pl.ds(i * CB, CB), :] = (
            jnp.dot(ls, blk, preferred_element_type=jnp.float32) + off
        )
        return off + jnp.sum(blk, axis=0, keepdims=True)

    counts = lax.fori_loop(0, _T // CB, body, jnp.zeros((1, _E), jnp.float32))

    caps_i = ((counts.astype(jnp.int32) + _BT - 1) // _BT) * _BT
    caps_f = caps_i.astype(jnp.float32)
    ei8 = lax.broadcasted_iota(jnp.int32, (_E, _E), 0)
    ej8 = lax.broadcasted_iota(jnp.int32, (_E, _E), 1)
    mlt = (ei8 < ej8).astype(jnp.float32)
    aoff_f = jnp.dot(caps_f, mlt, preferred_element_type=jnp.float32)

    C = c_sc[...]
    rank0 = jnp.sum(oh0 * C, axis=1, keepdims=True)
    rank1 = jnp.sum(oh1 * C, axis=1, keepdims=True)
    a0 = jnp.sum(oh0 * aoff_f, axis=1, keepdims=True)
    a1 = jnp.sum(oh1 * aoff_f, axis=1, keepdims=True)
    pos0 = (rank0 + a0).astype(jnp.int32)
    pos1 = (rank1 + a1).astype(jnp.int32)
    pos_ref[...] = jnp.concatenate([pos0, pos1], axis=1)
    flag = (lax.broadcasted_iota(jnp.int32, (_T, 1), 0) >= _S).astype(
        jnp.float32)
    z14 = jnp.zeros((_T, _PW - 2), jnp.float32)
    gwb_ref[...] = jnp.concatenate([p1, flag, z14, p2, flag, z14], axis=1)

    bi_nb = lax.broadcasted_iota(jnp.int32, (_NB, _E), 0) * _BT
    aoff_i = aoff_f.astype(jnp.int32)
    cmp = (bi_nb >= aoff_i).astype(jnp.int32)
    bexp_ref[...] = jnp.sum(cmp, axis=1, keepdims=True) - 1
    cnt_ref[...] = counts.astype(jnp.int32)
    aoff_ref[...] = aoff_i



def _sc_dispatch(h2, posflat, srcidx, gwbp):
    mesh = plsc.VectorSubcoreMesh(core_axis_name="c", subcore_axis_name="s")

    @functools.partial(
        pl.kernel,
        mesh=mesh,
        out_type=[
            jax.ShapeDtypeStruct((_PADT, _D), jnp.float32),
            jax.ShapeDtypeStruct((_PADT, _PW), jnp.float32),
        ],
        scratch_types=[
            pltpu.VMEM((_CH,), jnp.int32),
            pltpu.VMEM((_CH,), jnp.int32),
            pltpu.VMEM((_CH, _D), jnp.float32),
            pltpu.VMEM((_CH, _PW), jnp.float32),
            pltpu.SemaphoreType.DMA,
            pltpu.SemaphoreType.DMA,
            pltpu.SemaphoreType.DMA,
        ],
    )
    def k(h2_hbm, pos_hbm, src_hbm, gwb_hbm, xg_hbm, wgb_hbm,
          posv, idxv, rows, pay, s1, s2, s3):
        wid = lax.axis_index("s") * 2 + lax.axis_index("c")
        base = wid * _PPW
        for c in range(_PPW // _CH):
            off = base + c * _CH
            pltpu.sync_copy(pos_hbm.at[pl.ds(off, _CH)], posv)
            pltpu.sync_copy(src_hbm.at[pl.ds(off, _CH)], idxv)
            pltpu.sync_copy(gwb_hbm.at[pl.ds(off, _CH)], pay)
            pltpu.async_copy(h2_hbm.at[idxv], rows, s1).wait()
            pltpu.async_copy(rows, xg_hbm.at[posv], s2).wait()
            pltpu.async_copy(pay, wgb_hbm.at[posv], s3).wait()

    return k(h2, posflat, srcidx, gwbp)



def _ffn_body(bexp_ref, cnt_ref, aoff_ref, xg_ref, wgb_ref, w1_ref, b1_ref,
              w2_ref, b2_ref, x2s_ref, wout_ref, bout_ref, o_ref, acc):
    nb = pl.program_id(0)
    e = bexp_ref[nb]
    h = jnp.dot(xg_ref[...], w1_ref[0], preferred_element_type=jnp.float32)
    h = _gelu_exact(h + b1_ref[0])
    y = jnp.dot(h, w2_ref[0], preferred_element_type=jnp.float32) + b2_ref[0]

    ri = lax.broadcasted_iota(jnp.int32, (_BT, 1), 0) + nb * _BT
    valid = (ri - aoff_ref[e]) < cnt_ref[e]
    w = jnp.where(valid, wgb_ref[:, 0:1], 0.0)
    bf = jnp.where(valid, wgb_ref[:, 1:2], 0.0)
    y = jnp.where(valid, y, 0.0)
    wm = jnp.concatenate([w - w * bf, w * bf], axis=1)
    part = lax.dot_general(
        wm, y, (((0,), (0,)), ((), ())), preferred_element_type=jnp.float32
    )

    @pl.when(nb == 0)
    def _():
        acc[...] = part

    @pl.when(nb > 0)
    def _():
        acc[...] += part

    @pl.when(nb == _NB - 1)
    def _():
        pooled = (x2s_ref[...] + acc[...]) * (1.0 / _S)
        o_ref[...] = (
            jnp.dot(pooled, wout_ref[...], preferred_element_type=jnp.float32)
            + bout_ref[...]
        )


def _ffn(bexp1d, cnt1d, aoff1d, xg, wgb, W1, b1, W2, b2, x2sum, Wout, bout):
    grid_spec = pltpu.PrefetchScalarGridSpec(
        num_scalar_prefetch=3,
        grid=(_NB,),
        in_specs=[
            pl.BlockSpec((_BT, _D), lambda nb, be, cn, ao: (nb, 0)),
            pl.BlockSpec((_BT, _PW), lambda nb, be, cn, ao: (nb, 0)),
            pl.BlockSpec((1, _D, _H), lambda nb, be, cn, ao: (be[nb], 0, 0)),
            pl.BlockSpec((1, 1, _H), lambda nb, be, cn, ao: (be[nb], 0, 0)),
            pl.BlockSpec((1, _H, _D), lambda nb, be, cn, ao: (be[nb], 0, 0)),
            pl.BlockSpec((1, 1, _D), lambda nb, be, cn, ao: (be[nb], 0, 0)),
            pl.BlockSpec((_B, _D), lambda nb, be, cn, ao: (0, 0)),
            pl.BlockSpec((_D, _OUT), lambda nb, be, cn, ao: (0, 0)),
            pl.BlockSpec((1, _OUT), lambda nb, be, cn, ao: (0, 0)),
        ],
        out_specs=pl.BlockSpec((_B, _OUT), lambda nb, be, cn, ao: (0, 0)),
        scratch_shapes=[pltpu.VMEM((_B, _D), jnp.float32)],
    )
    return pl.pallas_call(
        _ffn_body,
        grid_spec=grid_spec,
        out_shape=jax.ShapeDtypeStruct((_B, _OUT), jnp.float32),
    )(bexp1d, cnt1d, aoff1d, xg, wgb, W1, b1.reshape(_E, 1, _H), W2,
      b2.reshape(_E, 1, _D), x2sum, Wout, bout.reshape(1, -1))


def kernel(x, Wqkv, bqkv, Wo, bo, g1, be1, g2, be2, Wg, bg, W1, b1, W2, b2, Wout, bout):
    x2d = x.reshape(_T, _D)
    qkv = _ln_qkv(x2d, Wqkv, bqkv, g1, be1)
    att2d = _attention(qkv)
    h2, pos2, gwb2, bexp, cnts, aoffs, x2sum = _proj_ln_gate(
        att2d, Wo, bo, x2d, g2, be2, Wg, bg)
    posflat = pos2.reshape(_NPAIR)
    srcidx = jnp.arange(_NPAIR, dtype=jnp.int32) // _K
    gwbp = gwb2.reshape(_NPAIR, _PW)
    xg, wgb = _sc_dispatch(h2, posflat, srcidx, gwbp)
    return _ffn(bexp.reshape(_NB), cnts.reshape(_E), aoffs.reshape(_E),
                xg, wgb, W1, b1, W2, b2, x2sum, Wout, bout)

# --- scband reference (transcript-rebuilt; emitter-appended) ---
"""Pipeline reference for scband-moe-56925496541300 (READ-ONLY COPY).

The authoritative reference and input builder live on the scoring server;
editing this copy changes nothing except your own understanding.
"""

import jax, jax.numpy as jnp
import numpy as np

D = 768
H = 2048
E = 8
K = 2
NH = 12
HD = 64
B = 2
S = 2048
OUT = 768

def setup_inputs(seed: int = 0):
    key = jax.random.key(seed)
    ks = jax.random.split(key, 12)
    s = 0.02
    return {
        'x': jax.random.normal(ks[0], (B, S, D), dtype=jnp.float32),
        'Wqkv': jax.random.normal(ks[1], (D, 3 * D), dtype=jnp.float32) * s,
        'bqkv': jnp.zeros((3 * D,), jnp.float32),
        'Wo': jax.random.normal(ks[2], (D, D), dtype=jnp.float32) * s,
        'bo': jnp.zeros((D,), jnp.float32),
        'g1': jnp.ones((D,), jnp.float32),
        'be1': jnp.zeros((D,), jnp.float32),
        'g2': jnp.ones((D,), jnp.float32),
        'be2': jnp.zeros((D,), jnp.float32),
        'Wg': jax.random.normal(ks[3], (D, E), dtype=jnp.float32) * s,
        'bg': jnp.zeros((E,), jnp.float32),
        'W1': jax.random.normal(ks[4], (E, D, H), dtype=jnp.float32) * s,
        'b1': jnp.zeros((E, H), jnp.float32),
        'W2': jax.random.normal(ks[5], (E, H, D), dtype=jnp.float32) * s,
        'b2': jnp.zeros((E, D), jnp.float32),
        'Wout': jax.random.normal(ks[6], (D, OUT), dtype=jnp.float32) * s,
        'bout': jnp.zeros((OUT,), jnp.float32),
    }

def _ln(z, g, b):
    m = jnp.mean(z, axis=-1, keepdims=True)
    v = jnp.var(z, axis=-1, keepdims=True)
    return (z - m) / jnp.sqrt(v + 1e-5) * g + b

def _forward(x, Wqkv, bqkv, Wo, bo, g1, be1, g2, be2, Wg, bg, W1, b1, W2, b2, Wout, bout):
    # single transformer layer; dropout is identity in eval mode
    h = _ln(x, g1, be1)
    Bs, Sl, Dm = h.shape
    qkv = (h @ Wqkv + bqkv).reshape(Bs, Sl, 3, NH, HD).transpose(2, 0, 3, 1, 4)
    q, k, v = qkv[0], qkv[1], qkv[2]
    a = jax.nn.softmax((q @ jnp.swapaxes(k, -2, -1)) * (HD ** -0.5), axis=-1)
    att = jnp.swapaxes(a @ v, 1, 2).reshape(Bs, Sl, Dm) @ Wo + bo
    x = x + att
    # MoE block: top-k routing, per-token expert application, softmax-normalized top-k gates
    h = _ln(x, g2, be2)
    xf = h.reshape(-1, Dm)
    gates = xf @ Wg + bg
    gs, ei = jax.lax.top_k(gates, K)
    gs = jax.nn.softmax(gs, axis=-1)
    eh = jax.nn.gelu(jnp.einsum('td,edh->eth', xf, W1) + b1[:, None, :], approximate=False)
    ey = jnp.einsum('eth,ehd->etd', eh, W2) + b2[:, None, :]
    tok = jnp.arange(xf.shape[0])
    comb = jnp.zeros_like(xf)
    for i in range(K):
        comb = comb + gs[:, i:i + 1] * ey[ei[:, i], tok]
    x = x + comb.reshape(Bs, Sl, Dm)
    pooled = jnp.mean(x, axis=1)
    return pooled @ Wout + bout

def reference(x, Wqkv, bqkv, Wo, bo, g1, be1, g2, be2, Wg, bg, W1, b1, W2, b2, Wout, bout):
    return _forward(x, Wqkv, bqkv, Wo, bo, g1, be1, g2, be2, Wg, bg, W1, b1, W2, b2, Wout, bout)

if __name__ == "__main__":
    import jax
    _d = setup_inputs()
    print(jax.jit(kernel)(*tuple(_d.values())))

</pallas_src>

<mosaic_0001>
#map = affine_map<(d0, d1) -> (0, 0)>
#map1 = affine_map<(d0, d1) -> (0)>
module attributes {stable_mosaic.version = 14 : i64} {
  func.func @k(%arg0: i32, %arg1: i32, %arg2: memref<4096x768xf32, #tpu.memory_space<hbm>>, %arg3: memref<8192xi32, #tpu.memory_space<hbm>>, %arg4: memref<8192xi32, #tpu.memory_space<hbm>>, %arg5: memref<8192x128xf32, #tpu.memory_space<hbm>>, %arg6: memref<10240x768xf32, #tpu.memory_space<hbm>>, %arg7: memref<10240x128xf32, #tpu.memory_space<hbm>>, %arg8: memref<128xi32, #tpu.memory_space<vmem>>, %arg9: memref<128xi32, #tpu.memory_space<vmem>>, %arg10: memref<128x768xf32, #tpu.memory_space<vmem>>, %arg11: memref<128x128xf32, #tpu.memory_space<vmem>>, %arg12: memref<!tpu.dma_semaphore, #tpu.memory_space<semaphore_mem>>, %arg13: memref<!tpu.dma_semaphore, #tpu.memory_space<semaphore_mem>>, %arg14: memref<!tpu.dma_semaphore, #tpu.memory_space<semaphore_mem>>) attributes {dimension_semantics = [#tpu.dimension_semantics<core_parallel>, #tpu.dimension_semantics<subcore_parallel>], iteration_bounds = array<i64: 2, 16>, scalar_prefetch = 0 : i64, scratch_operands = 7 : i64, tpu.core_type = #tpu.core_type<sc_vector_subcore>, window_params = [{transform_indices = #map}, {transform_indices = #map1}, {transform_indices = #map1}, {transform_indices = #map}, {transform_indices = #map}, {transform_indices = #map}]} {
    %mul3A = arith.constant 2 : i32
    %mul3A_0 = arith.muli %arg1, %mul3A : i32
    %add3A = arith.addi %mul3A_0, %arg0 : i32
    %mul3A_1 = arith.constant 256 : i32
    %mul3A_2 = arith.muli %add3A, %mul3A_1 : i32
    %add3A_3 = arith.constant 0 : i32
    %add3A_4 = arith.addi %mul3A_2, %add3A_3 : i32
    "tpu.region"() ({
      %run_scoped3A = tpu.sem_alloc : memref<!tpu.dma_semaphore, #tpu.memory_space<semaphore_mem>>
      %dma_start3A_41 = tpu.memref_slice %arg3[%add3A_4] : memref<8192xi32, #tpu.memory_space<hbm>> -> memref<128xi32, #tpu.memory_space<hbm>>
      %dma_start3A_42 = tpu.memref_slice %arg3[%add3A_4] : memref<8192xi32, #tpu.memory_space<hbm>> -> memref<128xi32, #tpu.memory_space<hbm>>
      tpu.enqueue_dma source(%dma_start3A_42 : memref<128xi32, #tpu.memory_space<hbm>>) target(%arg8 : memref<128xi32, #tpu.memory_space<vmem>>) target_semaphore(%run_scoped3A : memref<!tpu.dma_semaphore, #tpu.memory_space<semaphore_mem>>)
      %dma_wait3A_43 = tpu.memref_slice %arg3[%add3A_4] : memref<8192xi32, #tpu.memory_space<hbm>> -> memref<128xi32, #tpu.memory_space<hbm>>
      %dma_wait3A_44 = tpu.memref_slice %arg3[%add3A_4] : memref<8192xi32, #tpu.memory_space<hbm>> -> memref<128xi32, #tpu.memory_space<hbm>>
      tpu.wait_dma2 semaphore(%run_scoped3A : memref<!tpu.dma_semaphore, #tpu.memory_space<semaphore_mem>>) src(%dma_wait3A_44 : memref<128xi32, #tpu.memory_space<hbm>>) dst(%arg8 : memref<128xi32, #tpu.memory_space<vmem>>)
      tpu.yield
    }) : () -> ()
    "tpu.region"() ({
      %run_scoped3A = tpu.sem_alloc : memref<!tpu.dma_semaphore, #tpu.memory_space<semaphore_mem>>
      %dma_start3A_41 = tpu.memref_slice %arg4[%add3A_4] : memref<8192xi32, #tpu.memory_space<hbm>> -> memref<128xi32, #tpu.memory_space<hbm>>
      %dma_start3A_42 = tpu.memref_slice %arg4[%add3A_4] : memref<8192xi32, #tpu.memory_space<hbm>> -> memref<128xi32, #tpu.memory_space<hbm>>
      tpu.enqueue_dma source(%dma_start3A_42 : memref<128xi32, #tpu.memory_space<hbm>>) target(%arg9 : memref<128xi32, #tpu.memory_space<vmem>>) target_semaphore(%run_scoped3A : memref<!tpu.dma_semaphore, #tpu.memory_space<semaphore_mem>>)
      %dma_wait3A_43 = tpu.memref_slice %arg4[%add3A_4] : memref<8192xi32, #tpu.memory_space<hbm>> -> memref<128xi32, #tpu.memory_space<hbm>>
      %dma_wait3A_44 = tpu.memref_slice %arg4[%add3A_4] : memref<8192xi32, #tpu.memory_space<hbm>> -> memref<128xi32, #tpu.memory_space<hbm>>
      tpu.wait_dma2 semaphore(%run_scoped3A : memref<!tpu.dma_semaphore, #tpu.memory_space<semaphore_mem>>) src(%dma_wait3A_44 : memref<128xi32, #tpu.memory_space<hbm>>) dst(%arg9 : memref<128xi32, #tpu.memory_space<vmem>>)
      tpu.yield
    }) : () -> ()
    "tpu.region"() ({
      %run_scoped3A = tpu.sem_alloc : memref<!tpu.dma_semaphore, #tpu.memory_space<semaphore_mem>>
      %dma_start3A_41 = arith.constant 0 : i32
      %dma_start3A_42 = tpu.memref_slice %arg5[%add3A_4, %dma_start3A_41] : memref<8192x128xf32, #tpu.memory_space<hbm>> -> memref<128x128xf32, #tpu.memory_space<hbm>>
      %dma_start3A_43 = arith.constant 0 : i32
      %dma_start3A_44 = tpu.memref_slice %arg5[%add3A_4, %dma_start3A_43] : memref<8192x128xf32, #tpu.memory_space<hbm>> -> memref<128x128xf32, #tpu.memory_space<hbm>>
      tpu.enqueue_dma source(%dma_start3A_44 : memref<128x128xf32, #tpu.memory_space<hbm>>) target(%arg11 : memref<128x128xf32, #tpu.memory_space<vmem>>) target_semaphore(%run_scoped3A : memref<!tpu.dma_semaphore, #tpu.memory_space<semaphore_mem>>)
      %dma_wait3A_45 = arith.constant 0 : i32
      %dma_wait3A_46 = tpu.memref_slice %arg5[%add3A_4, %dma_wait3A_45] : memref<8192x128xf32, #tpu.memory_space<hbm>> -> memref<128x128xf32, #tpu.memory_space<hbm>>
      %dma_wait3A_47 = arith.constant 0 : i32
      %dma_wait3A_48 = tpu.memref_slice %arg5[%add3A_4, %dma_wait3A_47] : memref<8192x128xf32, #tpu.memory_space<hbm>> -> memref<128x128xf32, #tpu.memory_space<hbm>>
      tpu.wait_dma2 semaphore(%run_scoped3A : memref<!tpu.dma_semaphore, #tpu.memory_space<semaphore_mem>>) src(%dma_wait3A_48 : memref<128x128xf32, #tpu.memory_space<hbm>>) dst(%arg11 : memref<128x128xf32, #tpu.memory_space<vmem>>)
      tpu.yield
    }) : () -> ()
    %dma_start3A = arith.constant 0 : i32
    %dma_start3A_5 = arith.constant 0 : i32
    %dma_start3A_6 = tpu.memref_slice %arg2[%dma_start3A, %dma_start3A_5] : memref<4096x768xf32, #tpu.memory_space<hbm>> -> memref<4096x768xf32, #tpu.memory_space<hbm>>
    tpu.enqueue_indirect_dma source(%dma_start3A_6 : memref<4096x768xf32, #tpu.memory_space<hbm>>) target(%arg10 : memref<128x768xf32, #tpu.memory_space<vmem>>) offsets(%arg9 : memref<128xi32, #tpu.memory_space<vmem>>) semaphore(%arg12 : memref<!tpu.dma_semaphore, #tpu.memory_space<semaphore_mem>>)
    %dma_wait3A = arith.constant 0 : i32
    %dma_wait3A_7 = arith.constant 0 : i32
    %dma_wait3A_8 = tpu.memref_slice %arg2[%dma_wait3A, %dma_wait3A_7] : memref<4096x768xf32, #tpu.memory_space<hbm>> -> memref<4096x768xf32, #tpu.memory_space<hbm>>
    tpu.wait_indirect_dma semaphore(%arg12 : memref<!tpu.dma_semaphore, #tpu.memory_space<semaphore_mem>>) src(%dma_wait3A_8 : memref<4096x768xf32, #tpu.memory_space<hbm>>) dst(%arg10 : memref<128x768xf32, #tpu.memory_space<vmem>>)
    %dma_start3A_9 = arith.constant 0 : i32
    %dma_start3A_10 = arith.constant 0 : i32
    %dma_start3A_11 = tpu.memref_slice %arg6[%dma_start3A_9, %dma_start3A_10] : memref<10240x768xf32, #tpu.memory_space<hbm>> -> memref<10240x768xf32, #tpu.memory_space<hbm>>
    tpu.enqueue_indirect_dma source(%arg10 : memref<128x768xf32, #tpu.memory_space<vmem>>) target(%dma_start3A_11 : memref<10240x768xf32, #tpu.memory_space<hbm>>) offsets(%arg8 : memref<128xi32, #tpu.memory_space<vmem>>) semaphore(%arg13 : memref<!tpu.dma_semaphore, #tpu.memory_space<semaphore_mem>>)
    %dma_wait3A_12 = arith.constant 0 : i32
    %dma_wait3A_13 = arith.constant 0 : i32
    %dma_wait3A_14 = tpu.memref_slice %arg6[%dma_wait3A_12, %dma_wait3A_13] : memref<10240x768xf32, #tpu.memory_space<hbm>> -> memref<10240x768xf32, #tpu.memory_space<hbm>>
    tpu.wait_indirect_dma semaphore(%arg13 : memref<!tpu.dma_semaphore, #tpu.memory_space<semaphore_mem>>) src(%arg10 : memref<128x768xf32, #tpu.memory_space<vmem>>) dst(%dma_wait3A_14 : memref<10240x768xf32, #tpu.memory_space<hbm>>)
    %dma_start3A_15 = arith.constant 0 : i32
    %dma_start3A_16 = arith.constant 0 : i32
    %dma_start3A_17 = tpu.memref_slice %arg7[%dma_start3A_15, %dma_start3A_16] : memref<10240x128xf32, #tpu.memory_space<hbm>> -> memref<10240x128xf32, #tpu.memory_space<hbm>>
    tpu.enqueue_indirect_dma source(%arg11 : memref<128x128xf32, #tpu.memory_space<vmem>>) target(%dma_start3A_17 : memref<10240x128xf32, #tpu.memory_space<hbm>>) offsets(%arg8 : memref<128xi32, #tpu.memory_space<vmem>>) semaphore(%arg14 : memref<!tpu.dma_semaphore, #tpu.memory_space<semaphore_mem>>)
    %dma_wait3A_18 = arith.constant 0 : i32
    %dma_wait3A_19 = arith.constant 0 : i32
    %dma_wait3A_20 = tpu.memref_slice %arg7[%dma_wait3A_18, %dma_wait3A_19] : memref<10240x128xf32, #tpu.memory_space<hbm>> -> memref<10240x128xf32, #tpu.memory_space<hbm>>
    tpu.wait_indirect_dma semaphore(%arg14 : memref<!tpu.dma_semaphore, #tpu.memory_space<semaphore_mem>>) src(%arg11 : memref<128x128xf32, #tpu.memory_space<vmem>>) dst(%dma_wait3A_20 : memref<10240x128xf32, #tpu.memory_space<hbm>>)
    %add3A_21 = arith.constant 128 : i32
    %add3A_22 = arith.addi %mul3A_2, %add3A_21 : i32
    "tpu.region"() ({
      %run_scoped3A = tpu.sem_alloc : memref<!tpu.dma_semaphore, #tpu.memory_space<semaphore_mem>>
      %dma_start3A_41 = tpu.memref_slice %arg3[%add3A_22] : memref<8192xi32, #tpu.memory_space<hbm>> -> memref<128xi32, #tpu.memory_space<hbm>>
      %dma_start3A_42 = tpu.memref_slice %arg3[%add3A_22] : memref<8192xi32, #tpu.memory_space<hbm>> -> memref<128xi32, #tpu.memory_space<hbm>>
      tpu.enqueue_dma source(%dma_start3A_42 : memref<128xi32, #tpu.memory_space<hbm>>) target(%arg8 : memref<128xi32, #tpu.memory_space<vmem>>) target_semaphore(%run_scoped3A : memref<!tpu.dma_semaphore, #tpu.memory_space<semaphore_mem>>)
      %dma_wait3A_43 = tpu.memref_slice %arg3[%add3A_22] : memref<8192xi32, #tpu.memory_space<hbm>> -> memref<128xi32, #tpu.memory_space<hbm>>
      %dma_wait3A_44 = tpu.memref_slice %arg3[%add3A_22] : memref<8192xi32, #tpu.memory_space<hbm>> -> memref<128xi32, #tpu.memory_space<hbm>>
      tpu.wait_dma2 semaphore(%run_scoped3A : memref<!tpu.dma_semaphore, #tpu.memory_space<semaphore_mem>>) src(%dma_wait3A_44 : memref<128xi32, #tpu.memory_space<hbm>>) dst(%arg8 : memref<128xi32, #tpu.memory_space<vmem>>)
      tpu.yield
    }) : () -> ()
    "tpu.region"() ({
      %run_scoped3A = tpu.sem_alloc : memref<!tpu.dma_semaphore, #tpu.memory_space<semaphore_mem>>
      %dma_start3A_41 = tpu.memref_slice %arg4[%add3A_22] : memref<8192xi32, #tpu.memory_space<hbm>> -> memref<128xi32, #tpu.memory_space<hbm>>
      %dma_start3A_42 = tpu.memref_slice %arg4[%add3A_22] : memref<8192xi32, #tpu.memory_space<hbm>> -> memref<128xi32, #tpu.memory_space<hbm>>
      tpu.enqueue_dma source(%dma_start3A_42 : memref<128xi32, #tpu.memory_space<hbm>>) target(%arg9 : memref<128xi32, #tpu.memory_space<vmem>>) target_semaphore(%run_scoped3A : memref<!tpu.dma_semaphore, #tpu.memory_space<semaphore_mem>>)
      %dma_wait3A_43 = tpu.memref_slice %arg4[%add3A_22] : memref<8192xi32, #tpu.memory_space<hbm>> -> memref<128xi32, #tpu.memory_space<hbm>>
      %dma_wait3A_44 = tpu.memref_slice %arg4[%add3A_22] : memref<8192xi32, #tpu.memory_space<hbm>> -> memref<128xi32, #tpu.memory_space<hbm>>
      tpu.wait_dma2 semaphore(%run_scoped3A : memref<!tpu.dma_semaphore, #tpu.memory_space<semaphore_mem>>) src(%dma_wait3A_44 : memref<128xi32, #tpu.memory_space<hbm>>) dst(%arg9 : memref<128xi32, #tpu.memory_space<vmem>>)
      tpu.yield
    }) : () -> ()
    "tpu.region"() ({
      %run_scoped3A = tpu.sem_alloc : memref<!tpu.dma_semaphore, #tpu.memory_space<semaphore_mem>>
      %dma_start3A_41 = arith.constant 0 : i32
      %dma_start3A_42 = tpu.memref_slice %arg5[%add3A_22, %dma_start3A_41] : memref<8192x128xf32, #tpu.memory_space<hbm>> -> memref<128x128xf32, #tpu.memory_space<hbm>>
      %dma_start3A_43 = arith.constant 0 : i32
      %dma_start3A_44 = tpu.memref_slice %arg5[%add3A_22, %dma_start3A_43] : memref<8192x128xf32, #tpu.memory_space<hbm>> -> memref<128x128xf32, #tpu.memory_space<hbm>>
      tpu.enqueue_dma source(%dma_start3A_44 : memref<128x128xf32, #tpu.memory_space<hbm>>) target(%arg11 : memref<128x128xf32, #tpu.memory_space<vmem>>) target_semaphore(%run_scoped3A : memref<!tpu.dma_semaphore, #tpu.memory_space<semaphore_mem>>)
      %dma_wait3A_45 = arith.constant 0 : i32
      %dma_wait3A_46 = tpu.memref_slice %arg5[%add3A_22, %dma_wait3A_45] : memref<8192x128xf32, #tpu.memory_space<hbm>> -> memref<128x128xf32, #tpu.memory_space<hbm>>
      %dma_wait3A_47 = arith.constant 0 : i32
      %dma_wait3A_48 = tpu.memref_slice %arg5[%add3A_22, %dma_wait3A_47] : memref<8192x128xf32, #tpu.memory_space<hbm>> -> memref<128x128xf32, #tpu.memory_space<hbm>>
      tpu.wait_dma2 semaphore(%run_scoped3A : memref<!tpu.dma_semaphore, #tpu.memory_space<semaphore_mem>>) src(%dma_wait3A_48 : memref<128x128xf32, #tpu.memory_space<hbm>>) dst(%arg11 : memref<128x128xf32, #tpu.memory_space<vmem>>)
      tpu.yield
    }) : () -> ()
    %dma_start3A_23 = arith.constant 0 : i32
    %dma_start3A_24 = arith.constant 0 : i32
    %dma_start3A_25 = tpu.memref_slice %arg2[%dma_start3A_23, %dma_start3A_24] : memref<4096x768xf32, #tpu.memory_space<hbm>> -> memref<4096x768xf32, #tpu.memory_space<hbm>>
    tpu.enqueue_indirect_dma source(%dma_start3A_25 : memref<4096x768xf32, #tpu.memory_space<hbm>>) target(%arg10 : memref<128x768xf32, #tpu.memory_space<vmem>>) offsets(%arg9 : memref<128xi32, #tpu.memory_space<vmem>>) semaphore(%arg12 : memref<!tpu.dma_semaphore, #tpu.memory_space<semaphore_mem>>)
    %dma_wait3A_26 = arith.constant 0 : i32
    %dma_wait3A_27 = arith.constant 0 : i32
    %dma_wait3A_28 = tpu.memref_slice %arg2[%dma_wait3A_26, %dma_wait3A_27] : memref<4096x768xf32, #tpu.memory_space<hbm>> -> memref<4096x768xf32, #tpu.memory_space<hbm>>
    tpu.wait_indirect_dma semaphore(%arg12 : memref<!tpu.dma_semaphore, #tpu.memory_space<semaphore_mem>>) src(%dma_wait3A_28 : memref<4096x768xf32, #tpu.memory_space<hbm>>) dst(%arg10 : memref<128x768xf32, #tpu.memory_space<vmem>>)
    %dma_start3A_29 = arith.constant 0 : i32
    %dma_start3A_30 = arith.constant 0 : i32
    %dma_start3A_31 = tpu.memref_slice %arg6[%dma_start3A_29, %dma_start3A_30] : memref<10240x768xf32, #tpu.memory_space<hbm>> -> memref<10240x768xf32, #tpu.memory_space<hbm>>
    tpu.enqueue_indirect_dma source(%arg10 : memref<128x768xf32, #tpu.memory_space<vmem>>) target(%dma_start3A_31 : memref<10240x768xf32, #tpu.memory_space<hbm>>) offsets(%arg8 : memref<128xi32, #tpu.memory_space<vmem>>) semaphore(%arg13 : memref<!tpu.dma_semaphore, #tpu.memory_space<semaphore_mem>>)
    %dma_wait3A_32 = arith.constant 0 : i32
    %dma_wait3A_33 = arith.constant 0 : i32
    %dma_wait3A_34 = tpu.memref_slice %arg6[%dma_wait3A_32, %dma_wait3A_33] : memref<10240x768xf32, #tpu.memory_space<hbm>> -> memref<10240x768xf32, #tpu.memory_space<hbm>>
    tpu.wait_indirect_dma semaphore(%arg13 : memref<!tpu.dma_semaphore, #tpu.memory_space<semaphore_mem>>) src(%arg10 : memref<128x768xf32, #tpu.memory_space<vmem>>) dst(%dma_wait3A_34 : memref<10240x768xf32, #tpu.memory_space<hbm>>)
    %dma_start3A_35 = arith.constant 0 : i32
    %dma_start3A_36 = arith.constant 0 : i32
    %dma_start3A_37 = tpu.memref_slice %arg7[%dma_start3A_35, %dma_start3A_36] : memref<10240x128xf32, #tpu.memory_space<hbm>> -> memref<10240x128xf32, #tpu.memory_space<hbm>>
    tpu.enqueue_indirect_dma source(%arg11 : memref<128x128xf32, #tpu.memory_space<vmem>>) target(%dma_start3A_37 : memref<10240x128xf32, #tpu.memory_space<hbm>>) offsets(%arg8 : memref<128xi32, #tpu.memory_space<vmem>>) semaphore(%arg14 : memref<!tpu.dma_semaphore, #tpu.memory_space<semaphore_mem>>)
    %dma_wait3A_38 = arith.constant 0 : i32
    %dma_wait3A_39 = arith.constant 0 : i32
    %dma_wait3A_40 = tpu.memref_slice %arg7[%dma_wait3A_38, %dma_wait3A_39] : memref<10240x128xf32, #tpu.memory_space<hbm>> -> memref<10240x128xf32, #tpu.memory_space<hbm>>
    tpu.wait_indirect_dma semaphore(%arg14 : memref<!tpu.dma_semaphore, #tpu.memory_space<semaphore_mem>>) src(%arg11 : memref<128x128xf32, #tpu.memory_space<vmem>>) dst(%dma_wait3A_40 : memref<10240x128xf32, #tpu.memory_space<hbm>>)
    return
  }
}

module attributes {stable_mosaic.version = 14 : i64} {
  func.func @_ln_qkv_body(%arg0: i32, %arg1: memref<512x768xf32, #tpu.memory_space<vmem>>, %arg2: memref<768x2304xf32, #tpu.memory_space<vmem>>, %arg3: memref<1x2304xf32, #tpu.memory_space<vmem>>, %arg4: memref<1x768xf32, #tpu.memory_space<vmem>>, %arg5: memref<1x768xf32, #tpu.memory_space<vmem>>, %arg6: memref<512x2304xf32, #tpu.memory_space<vmem>>) attributes {dimension_semantics = [#tpu.dimension_semantics<arbitrary>], iteration_bounds = array<i64: 8>, scalar_prefetch = 0 : i64, scratch_operands = 0 : i64, tpu.core_type = #tpu.core_type<tc>, window_params = [{transform_indices = @transform_0, window_bounds = array<i64: 512, 768>}, {pipeline_mode = #tpu.pipeline_mode<synchronous>, transform_indices = @transform_1, window_bounds = array<i64: 768, 2304>}, {pipeline_mode = #tpu.pipeline_mode<synchronous>, transform_indices = @transform_2, window_bounds = array<i64: 1, 2304>}, {pipeline_mode = #tpu.pipeline_mode<synchronous>, transform_indices = @transform_3, window_bounds = array<i64: 1, 768>}, {pipeline_mode = #tpu.pipeline_mode<synchronous>, transform_indices = @transform_4, window_bounds = array<i64: 1, 768>}, {transform_indices = @transform_5, window_bounds = array<i64: 512, 2304>}]} {
    %get3A = arith.constant 0 : index
    %get3A_0 = arith.constant 0 : index
    %get3A_1 = vector.load %arg1[%get3A, %get3A_0] : memref<512x768xf32, #tpu.memory_space<vmem>>, vector<512x768xf32>
    %get3A_2 = arith.constant 0 : index
    %get3A_3 = arith.constant 0 : index
    %get3A_4 = vector.load %arg4[%get3A_2, %get3A_3] : memref<1x768xf32, #tpu.memory_space<vmem>>, vector<1x768xf32>
    %get3A_5 = arith.constant 0 : index
    %get3A_6 = arith.constant 0 : index
    %get3A_7 = vector.load %arg5[%get3A_5, %get3A_6] : memref<1x768xf32, #tpu.memory_space<vmem>>, vector<1x768xf32>
    %reduce_sum3A = arith.constant dense<0.000000e+00> : vector<512xf32>
    %reduce_sum3A_8 = vector.multi_reduction <add>, %get3A_1, %reduce_sum3A [1] : vector<512x768xf32> to vector<512xf32>
    %broadcast_in_dim3A = vector.shape_cast %reduce_sum3A_8 : vector<512xf32> to vector<512x1xf32>
    %div3A = arith.constant 7.680000e+02 : f32
    %div3A_9 = vector.broadcast %div3A : f32 to vector<512x1xf32>
    %div3A_10 = arith.divf %broadcast_in_dim3A, %div3A_9 : vector<512x1xf32>
    %sub3A = vector.broadcast %div3A_10 : vector<512x1xf32> to vector<512x768xf32>
    %sub3A_11 = arith.subf %get3A_1, %sub3A : vector<512x768xf32>
    %mul3A = arith.mulf %sub3A_11, %sub3A_11 : vector<512x768xf32>
    %reduce_sum3A_12 = arith.constant dense<0.000000e+00> : vector<512xf32>
    %reduce_sum3A_13 = vector.multi_reduction <add>, %mul3A, %reduce_sum3A_12 [1] : vector<512x768xf32> to vector<512xf32>
    %broadcast_in_dim3A_14 = vector.shape_cast %reduce_sum3A_13 : vector<512xf32> to vector<512x1xf32>
    %div3A_15 = arith.constant 7.680000e+02 : f32
    %div3A_16 = vector.broadcast %div3A_15 : f32 to vector<512x1xf32>
    %div3A_17 = arith.divf %broadcast_in_dim3A_14, %div3A_16 : vector<512x1xf32>
    %add3A = arith.constant 9.99999974E-6 : f32
    %add3A_18 = vector.broadcast %add3A : f32 to vector<512x1xf32>
    %add3A_19 = arith.addf %div3A_17, %add3A_18 : vector<512x1xf32>
    %rsqrt3A = math.rsqrt %add3A_19 : vector<512x1xf32>
    %mul3A_20 = vector.broadcast %rsqrt3A : vector<512x1xf32> to vector<512x768xf32>
    %mul3A_21 = arith.mulf %sub3A_11, %mul3A_20 : vector<512x768xf32>
    %mul3A_22 = vector.broadcast %get3A_4 : vector<1x768xf32> to vector<512x768xf32>
    %mul3A_23 = arith.mulf %mul3A_21, %mul3A_22 : vector<512x768xf32>
    %add3A_24 = vector.broadcast %get3A_7 : vector<1x768xf32> to vector<512x768xf32>
    %add3A_25 = arith.addf %mul3A_23, %add3A_24 : vector<512x768xf32>
    %get3A_26 = arith.constant 0 : index
    %get3A_27 = arith.constant 0 : index
    %get3A_28 = vector.load %arg2[%get3A_26, %get3A_27] : memref<768x2304xf32, #tpu.memory_space<vmem>>, vector<768x2304xf32>
    %dot_general3A = arith.constant dense<0.000000e+00> : vector<512x2304xf32>
    %dot_general3A_29 = tpu.matmul %add3A_25, %get3A_28, %dot_general3A {dimension_numbers = #tpu.dot_dimension_numbers<[1], [0], [0], [1], [0, 0, 1, 1], [], []>, transpose_lhs_hint = false} : vector<512x768xf32>, vector<768x2304xf32>, vector<512x2304xf32> -> vector<512x2304xf32>
    %get3A_30 = arith.constant 0 : index
    %get3A_31 = arith.constant 0 : index
    %get3A_32 = vector.load %arg3[%get3A_30, %get3A_31] : memref<1x2304xf32, #tpu.memory_space<vmem>>, vector<1x2304xf32>
    %add3A_33 = vector.broadcast %get3A_32 : vector<1x2304xf32> to vector<512x2304xf32>
    %add3A_34 = arith.addf %dot_general3A_29, %add3A_33 : vector<512x2304xf32>
    %swap3A = arith.constant 0 : index
    %swap3A_35 = arith.constant 0 : index
    %swap3A_36 = vector.load %arg6[%swap3A, %swap3A_35] : memref<512x2304xf32, #tpu.memory_space<vmem>>, vector<512x2304xf32>
    tpu.vector_store %arg6[%swap3A, %swap3A_35], %add3A_34 {strides = array<i32>} : memref<512x2304xf32, #tpu.memory_space<vmem>>, vector<512x2304xf32>,
    return
  }
  func.func @transform_0(%arg0: i32) -> (i32, i32) {
    %c0_i32 = arith.constant 0 : i32
    %c0_i32_0 = arith.constant 0 : i32
    return %arg0, %c0_i32 : i32, i32
  }
  func.func @transform_1(%arg0: i32) -> (i32, i32) {
    %c0_i32 = arith.constant 0 : i32
    %c0_i32_0 = arith.constant 0 : i32
    %c0_i32_1 = arith.constant 0 : i32
    return %c0_i32, %c0_i32_0 : i32, i32
  }
  func.func @transform_2(%arg0: i32) -> (i32, i32) {
    %c0_i32 = arith.constant 0 : i32
    %c0_i32_0 = arith.constant 0 : i32
    %c0_i32_1 = arith.constant 0 : i32
    return %c0_i32, %c0_i32_0 : i32, i32
  }
  func.func @transform_3(%arg0: i32) -> (i32, i32) {
    %c0_i32 = arith.constant 0 : i32
    %c0_i32_0 = arith.constant 0 : i32
    %c0_i32_1 = arith.constant 0 : i32
    return %c0_i32, %c0_i32_0 : i32, i32
  }
  func.func @transform_4(%arg0: i32) -> (i32, i32) {
    %c0_i32 = arith.constant 0 : i32
    %c0_i32_0 = arith.constant 0 : i32
    %c0_i32_1 = arith.constant 0 : i32
    return %c0_i32, %c0_i32_0 : i32, i32
  }
  func.func @transform_5(%arg0: i32) -> (i32, i32) {
    %c0_i32 = arith.constant 0 : i32
    %c0_i32_0 = arith.constant 0 : i32
    return %arg0, %c0_i32 : i32, i32
  }
}

module attributes {stable_mosaic.version = 14 : i64} {
  func.func @_proj_body(%arg0: i32, %arg1: memref<512x768xf32, #tpu.memory_space<vmem>>, %arg2: memref<768x768xf32, #tpu.memory_space<vmem>>, %arg3: memref<1x768xf32, #tpu.memory_space<vmem>>, %arg4: memref<512x768xf32, #tpu.memory_space<vmem>>, %arg5: memref<1x768xf32, #tpu.memory_space<vmem>>, %arg6: memref<1x768xf32, #tpu.memory_space<vmem>>, %arg7: memref<768x8xf32, #tpu.memory_space<vmem>>, %arg8: memref<1x8xf32, #tpu.memory_space<vmem>>, %arg9: memref<512x768xf32, #tpu.memory_space<vmem>>, %arg10: memref<4096x2xi32, #tpu.memory_space<vmem>>, %arg11: memref<4096x256xf32, #tpu.memory_space<vmem>>, %arg12: memref<40x1xi32, #tpu.memory_space<vmem>>, %arg13: memref<1x8xi32, #tpu.memory_space<vmem>>, %arg14: memref<1x8xi32, #tpu.memory_space<vmem>>, %arg15: memref<2x768xf32, #tpu.memory_space<vmem>>, %arg16: memref<4096x8xf32, #tpu.memory_space<vmem>>, %arg17: memref<4096x8xf32, #tpu.memory_space<vmem>>, %arg18: memref<4096x8xf32, #tpu.memory_space<vmem>>, %arg19: memref<1x768xf32, #tpu.memory_space<vmem>>, %arg20: memref<1x768xf32, #tpu.memory_space<vmem>>) attributes {dimension_semantics = [#tpu.dimension_semantics<arbitrary>], iteration_bounds = array<i64: 9>, scalar_prefetch = 0 : i64, scratch_operands = 5 : i64, tpu.core_type = #tpu.core_type<tc>, window_params = [{transform_indices = @transform_0, window_bounds = array<i64: 512, 768>}, {pipeline_mode = #tpu.pipeline_mode<synchronous>, transform_indices = @transform_1, window_bounds = array<i64: 768, 768>}, {pipeline_mode = #tpu.pipeline_mode<synchronous>, transform_indices = @transform_2, window_bounds = array<i64: 1, 768>}, {transform_indices = @transform_3, window_bounds = array<i64: 512, 768>}, {pipeline_mode = #tpu.pipeline_mode<synchronous>, transform_indices = @transform_4, window_bounds = array<i64: 1, 768>}, {pipeline_mode = #tpu.pipeline_mode<synchronous>, transform_indices = @transform_5, window_bounds = array<i64: 1, 768>}, {pipeline_mode = #tpu.pipeline_mode<synchronous>, transform_indices = @transform_6, window_bounds = array<i64: 768, 8>}, {pipeline_mode = #tpu.pipeline_mode<synchronous>, transform_indices = @transform_7, window_bounds = array<i64: 1, 8>}, {transform_indices = @transform_8, window_bounds = array<i64: 512, 768>}, {pipeline_mode = #tpu.pipeline_mode<synchronous>, transform_indices = @transform_9, window_bounds = array<i64: 4096, 2>}, {pipeline_mode = #tpu.pipeline_mode<synchronous>, transform_indices = @transform_10, window_bounds = array<i64: 4096, 256>}, {pipeline_mode = #tpu.pipeline_mode<synchronous>, transform_indices = @transform_11, window_bounds = array<i64: 40, 1>}, {pipeline_mode = #tpu.pipeline_mode<synchronous>, transform_indices = @transform_12, window_bounds = array<i64: 1, 8>}, {pipeline_mode = #tpu.pipeline_mode<synchronous>, transform_indices = @transform_13, window_bounds = array<i64: 1, 8>}, {pipeline_mode = #tpu.pipeline_mode<synchronous>, transform_indices = @transform_14, window_bounds = array<i64: 2, 768>}]} {
    %lt3A = arith.constant 8 : i32
    %lt3A_0 = arith.cmpi slt, %arg0, %lt3A : i32
    %convert_element_type3A = arith.extui %lt3A_0 : i1 to i32
    %cond3A = arith.constant 0 : i32
    %cond3A_1 = arith.cmpi ne, %convert_element_type3A, %cond3A : i32
    scf.if %cond3A_1 {
      %get3A = arith.constant 0 : index
      %get3A_6 = arith.constant 0 : index
      %get3A_7 = vector.load %arg1[%get3A, %get3A_6] : memref<512x768xf32, #tpu.memory_space<vmem>>, vector<512x768xf32>
      %get3A_8 = arith.constant 0 : index
      %get3A_9 = arith.constant 0 : index
      %get3A_10 = vector.load %arg2[%get3A_8, %get3A_9] : memref<768x768xf32, #tpu.memory_space<vmem>>, vector<768x768xf32>
      %dot_general3A = arith.constant dense<0.000000e+00> : vector<512x768xf32>
      %dot_general3A_11 = tpu.matmul %get3A_7, %get3A_10, %dot_general3A {dimension_numbers = #tpu.dot_dimension_numbers<[1], [0], [0], [1], [0, 0, 1, 1], [], []>, transpose_lhs_hint = false} : vector<512x768xf32>, vector<768x768xf32>, vector<512x768xf32> -> vector<512x768xf32>
      %get3A_12 = arith.constant 0 : index
      %get3A_13 = arith.constant 0 : index
      %get3A_14 = vector.load %arg4[%get3A_12, %get3A_13] : memref<512x768xf32, #tpu.memory_space<vmem>>, vector<512x768xf32>
      %add3A = arith.addf %get3A_14, %dot_general3A_11 : vector<512x768xf32>
      %get3A_15 = arith.constant 0 : index
      %get3A_16 = arith.constant 0 : index
      %get3A_17 = vector.load %arg3[%get3A_15, %get3A_16] : memref<1x768xf32, #tpu.memory_space<vmem>>, vector<1x768xf32>
      %add3A_18 = vector.broadcast %get3A_17 : vector<1x768xf32> to vector<512x768xf32>
      %add3A_19 = arith.addf %add3A, %add3A_18 : vector<512x768xf32>
      %get3A_20 = arith.constant 0 : index
      %get3A_21 = arith.constant 0 : index
      %get3A_22 = vector.load %arg5[%get3A_20, %get3A_21] : memref<1x768xf32, #tpu.memory_space<vmem>>, vector<1x768xf32>
      %get3A_23 = arith.constant 0 : index
      %get3A_24 = arith.constant 0 : index
      %get3A_25 = vector.load %arg6[%get3A_23, %get3A_24] : memref<1x768xf32, #tpu.memory_space<vmem>>, vector<1x768xf32>
      %reduce_sum3A = arith.constant dense<0.000000e+00> : vector<512xf32>
      %reduce_sum3A_26 = vector.multi_reduction <add>, %add3A_19, %reduce_sum3A [1] : vector<512x768xf32> to vector<512xf32>
      %broadcast_in_dim3A = vector.shape_cast %reduce_sum3A_26 : vector<512xf32> to vector<512x1xf32>
      %div3A = arith.constant 7.680000e+02 : f32
      %div3A_27 = vector.broadcast %div3A : f32 to vector<512x1xf32>
      %div3A_28 = arith.divf %broadcast_in_dim3A, %div3A_27 : vector<512x1xf32>
      %sub3A = vector.broadcast %div3A_28 : vector<512x1xf32> to vector<512x768xf32>
      %sub3A_29 = arith.subf %add3A_19, %sub3A : vector<512x768xf32>
      %mul3A = arith.mulf %sub3A_29, %sub3A_29 : vector<512x768xf32>
      %reduce_sum3A_30 = arith.constant dense<0.000000e+00> : vector<512xf32>
      %reduce_sum3A_31 = vector.multi_reduction <add>, %mul3A, %reduce_sum3A_30 [1] : vector<512x768xf32> to vector<512xf32>
      %broadcast_in_dim3A_32 = vector.shape_cast %reduce_sum3A_31 : vector<512xf32> to vector<512x1xf32>
      %div3A_33 = arith.constant 7.680000e+02 : f32
      %div3A_34 = vector.broadcast %div3A_33 : f32 to vector<512x1xf32>
      %div3A_35 = arith.divf %broadcast_in_dim3A_32, %div3A_34 : vector<512x1xf32>
      %add3A_36 = arith.constant 9.99999974E-6 : f32
      %add3A_37 = vector.broadcast %add3A_36 : f32 to vector<512x1xf32>
      %add3A_38 = arith.addf %div3A_35, %add3A_37 : vector<512x1xf32>
      %rsqrt3A = math.rsqrt %add3A_38 : vector<512x1xf32>
      %mul3A_39 = vector.broadcast %rsqrt3A : vector<512x1xf32> to vector<512x768xf32>
      %mul3A_40 = arith.mulf %sub3A_29, %mul3A_39 : vector<512x768xf32>
      %mul3A_41 = vector.broadcast %get3A_22 : vector<1x768xf32> to vector<512x768xf32>
      %mul3A_42 = arith.mulf %mul3A_40, %mul3A_41 : vector<512x768xf32>
      %add3A_43 = vector.broadcast %get3A_25 : vector<1x768xf32> to vector<512x768xf32>
      %add3A_44 = arith.addf %mul3A_42, %add3A_43 : vector<512x768xf32>
      %get3A_45 = arith.constant 0 : index
      %get3A_46 = arith.constant 0 : index
      %get3A_47 = vector.load %arg7[%get3A_45, %get3A_46] : memref<768x8xf32, #tpu.memory_space<vmem>>, vector<768x8xf32>
      %dot_general3A_48 = arith.constant dense<0.000000e+00> : vector<512x8xf32>
      %dot_general3A_49 = tpu.matmul %add3A_44, %get3A_47, %dot_general3A_48 {dimension_numbers = #tpu.dot_dimension_numbers<[1], [0], [0], [1], [0, 0, 1, 1], [], []>, precision = #tpu.contract_precision<fp32>, transpose_lhs_hint = false} : vector<512x768xf32>, vector<768x8xf32>, vector<512x8xf32> -> vector<512x8xf32>
      %get3A_50 = arith.constant 0 : index
      %get3A_51 = arith.constant 0 : index
      %get3A_52 = vector.load %arg8[%get3A_50, %get3A_51] : memref<1x8xf32, #tpu.memory_space<vmem>>, vector<1x8xf32>
      %add3A_53 = vector.broadcast %get3A_52 : vector<1x8xf32> to vector<512x8xf32>
      %add3A_54 = arith.addf %dot_general3A_49, %add3A_53 : vector<512x8xf32>
      %swap3A = arith.constant 0 : index
      %swap3A_55 = arith.constant 0 : index
      %swap3A_56 = vector.load %arg9[%swap3A, %swap3A_55] : memref<512x768xf32, #tpu.memory_space<vmem>>, vector<512x768xf32>
      tpu.vector_store %arg9[%swap3A, %swap3A_55], %add3A_44 {strides = array<i32>} : memref<512x768xf32, #tpu.memory_space<vmem>>, vector<512x768xf32>,
      %mul3A_57 = arith.constant 512 : i32
      %mul3A_58 = arith.muli %arg0, %mul3A_57 : i32
      %swap3A_59 = arith.index_cast %mul3A_58 : i32 to index
      %swap3A_60 = arith.constant 0 : index
      %swap3A_61 = vector.load %arg16[%swap3A_59, %swap3A_60] : memref<4096x8xf32, #tpu.memory_space<vmem>>, vector<512x8xf32>
      tpu.vector_store %arg16[%swap3A_59, %swap3A_60], %add3A_54 {strides = array<i32>} : memref<4096x8xf32, #tpu.memory_space<vmem>>, vector<512x8xf32>,
      %reduce_sum3A_62 = arith.constant dense<0.000000e+00> : vector<768xf32>
      %reduce_sum3A_63 = vector.multi_reduction <add>, %add3A_19, %reduce_sum3A_62 [0] : vector<512x768xf32> to vector<768xf32>
      %broadcast_in_dim3A_64 = vector.shape_cast %reduce_sum3A_63 : vector<768xf32> to vector<1x768xf32>
      %eq3A_65 = arith.constant 0 : i32
      %eq3A_66 = arith.cmpi eq, %arg0, %eq3A_65 : i32
      %convert_element_type3A_67 = arith.extui %eq3A_66 : i1 to i32
      %cond3A_68 = arith.constant 0 : i32
      %cond3A_69 = arith.cmpi ne, %convert_element_type3A_67, %cond3A_68 : i32
      scf.if %cond3A_69 {
        %swap3A_86 = arith.constant 0 : index
        %swap3A_87 = arith.constant 0 : index
        %swap3A_88 = vector.load %arg19[%swap3A_86, %swap3A_87] : memref<1x768xf32, #tpu.memory_space<vmem>>, vector<1x768xf32>
        tpu.vector_store %arg19[%swap3A_86, %swap3A_87], %broadcast_in_dim3A_64 {strides = array<i32>} : memref<1x768xf32, #tpu.memory_space<vmem>>, vector<1x768xf32>,
      } else {
      }
      %gt3A = arith.constant 0 : i32
      %gt3A_70 = arith.cmpi sgt, %arg0, %gt3A : i32
      %lt3A_71 = arith.constant 4 : i32
      %lt3A_72 = arith.cmpi slt, %arg0, %lt3A_71 : i32
      %and3A = arith.andi %gt3A_70, %lt3A_72 : i1
      %convert_element_type3A_73 = arith.extui %and3A : i1 to i32
      %cond3A_74 = arith.constant 0 : i32
      %cond3A_75 = arith.cmpi ne, %convert_element_type3A_73, %cond3A_74 : i32
      scf.if %cond3A_75 {
        %get3A_86 = arith.constant 0 : index
        %get3A_87 = arith.constant 0 : index
        %get3A_88 = vector.load %arg19[%get3A_86, %get3A_87] : memref<1x768xf32, #tpu.memory_space<vmem>>, vector<1x768xf32>
        %add3A_89 = arith.addf %get3A_88, %broadcast_in_dim3A_64 : vector<1x768xf32>
        %swap3A_90 = arith.constant 0 : index
        %swap3A_91 = arith.constant 0 : index
        %swap3A_92 = vector.load %arg19[%swap3A_90, %swap3A_91] : memref<1x768xf32, #tpu.memory_space<vmem>>, vector<1x768xf32>
        tpu.vector_store %arg19[%swap3A_90, %swap3A_91], %add3A_89 {strides = array<i32>} : memref<1x768xf32, #tpu.memory_space<vmem>>, vector<1x768xf32>,
      } else {
      }
      %eq3A_76 = arith.constant 4 : i32
      %eq3A_77 = arith.cmpi eq, %arg0, %eq3A_76 : i32
      %convert_element_type3A_78 = arith.extui %eq3A_77 : i1 to i32
      %cond3A_79 = arith.constant 0 : i32
      %cond3A_80 = arith.cmpi ne, %convert_element_type3A_78, %cond3A_79 : i32
      scf.if %cond3A_80 {
        %swap3A_86 = arith.constant 0 : index
        %swap3A_87 = arith.constant 0 : index
        %swap3A_88 = vector.load %arg20[%swap3A_86, %swap3A_87] : memref<1x768xf32, #tpu.memory_space<vmem>>, vector<1x768xf32>
        tpu.vector_store %arg20[%swap3A_86, %swap3A_87], %broadcast_in_dim3A_64 {strides = array<i32>} : memref<1x768xf32, #tpu.memory_space<vmem>>, vector<1x768xf32>,
      } else {
      }
      %gt3A_81 = arith.constant 4 : i32
      %gt3A_82 = arith.cmpi sgt, %arg0, %gt3A_81 : i32
      %convert_element_type3A_83 = arith.extui %gt3A_82 : i1 to i32
      %cond3A_84 = arith.constant 0 : i32
      %cond3A_85 = arith.cmpi ne, %convert_element_type3A_83, %cond3A_84 : i32
      scf.if %cond3A_85 {
        %get3A_86 = arith.constant 0 : index
        %get3A_87 = arith.constant 0 : index
        %get3A_88 = vector.load %arg20[%get3A_86, %get3A_87] : memref<1x768xf32, #tpu.memory_space<vmem>>, vector<1x768xf32>
        %add3A_89 = arith.addf %get3A_88, %broadcast_in_dim3A_64 : vector<1x768xf32>
        %swap3A_90 = arith.constant 0 : index
        %swap3A_91 = arith.constant 0 : index
        %swap3A_92 = vector.load %arg20[%swap3A_90, %swap3A_91] : memref<1x768xf32, #tpu.memory_space<vmem>>, vector<1x768xf32>
        tpu.vector_store %arg20[%swap3A_90, %swap3A_91], %add3A_89 {strides = array<i32>} : memref<1x768xf32, #tpu.memory_space<vmem>>, vector<1x768xf32>,
      } else {
      }
    } else {
    }
    %eq3A = arith.constant 8 : i32
    %eq3A_2 = arith.cmpi eq, %arg0, %eq3A : i32
    %convert_element_type3A_3 = arith.extui %eq3A_2 : i1 to i32
    %cond3A_4 = arith.constant 0 : i32
    %cond3A_5 = arith.cmpi ne, %convert_element_type3A_3, %cond3A_4 : i32
    scf.if %cond3A_5 {
      %get3A = arith.constant 0 : index
      %get3A_6 = arith.constant 0 : index
      %get3A_7 = vector.load %arg16[%get3A, %get3A_6] : memref<4096x8xf32, #tpu.memory_space<vmem>>, vector<4096x8xf32>
      %iota3A = tpu.iota {dimensions = array<i32: 1>} : vector<4096x8xi32>
      %reduce_max3A = arith.constant dense<0xFF800000> : vector<4096xf32>
      %reduce_max3A_8 = vector.multi_reduction <maximumf>, %get3A_7, %reduce_max3A [1] : vector<4096x8xf32> to vector<4096xf32>
      %broadcast_in_dim3A = vector.shape_cast %reduce_max3A_8 : vector<4096xf32> to vector<4096x1xf32>
      %eq3A_9 = vector.broadcast %broadcast_in_dim3A : vector<4096x1xf32> to vector<4096x8xf32>
      %eq3A_10 = arith.cmpf oeq, %get3A_7, %eq3A_9 : vector<4096x8xf32>
      %jit3A = arith.constant 8 : i32
      %broadcast_in_dim3A_11 = vector.broadcast %jit3A : i32 to vector<4096x8xi32>
      %select_n3A = arith.select %eq3A_10, %iota3A, %broadcast_in_dim3A_11 : vector<4096x8xi1>, vector<4096x8xi32>
      %reduce_min3A = arith.constant dense<2147483647> : vector<4096xi32>
      %reduce_min3A_12 = vector.multi_reduction <minsi>, %select_n3A, %reduce_min3A [1] : vector<4096x8xi32> to vector<4096xi32>
      %broadcast_in_dim3A_13 = vector.shape_cast %reduce_min3A_12 : vector<4096xi32> to vector<4096x1xi32>
      %eq3A_14 = vector.broadcast %broadcast_in_dim3A_13 : vector<4096x1xi32> to vector<4096x8xi32>
      %eq3A_15 = arith.cmpi eq, %iota3A, %eq3A_14 : vector<4096x8xi32>
      %jit3A_16 = arith.constant 0xFF800000 : f32
      %broadcast_in_dim3A_17 = vector.broadcast %jit3A_16 : f32 to vector<4096x8xf32>
      %select_n3A_18 = arith.select %eq3A_15, %broadcast_in_dim3A_17, %get3A_7 : vector<4096x8xi1>, vector<4096x8xf32>
      %reduce_max3A_19 = arith.constant dense<0xFF800000> : vector<4096xf32>
      %reduce_max3A_20 = vector.multi_reduction <maximumf>, %select_n3A_18, %reduce_max3A_19 [1] : vector<4096x8xf32> to vector<4096xf32>
      %broadcast_in_dim3A_21 = vector.shape_cast %reduce_max3A_20 : vector<4096xf32> to vector<4096x1xf32>
      %eq3A_22 = vector.broadcast %broadcast_in_dim3A_21 : vector<4096x1xf32> to vector<4096x8xf32>
      %eq3A_23 = arith.cmpf oeq, %select_n3A_18, %eq3A_22 : vector<4096x8xf32>
      %jit3A_24 = arith.constant 8 : i32
      %broadcast_in_dim3A_25 = vector.broadcast %jit3A_24 : i32 to vector<4096x8xi32>
      %select_n3A_26 = arith.select %eq3A_23, %iota3A, %broadcast_in_dim3A_25 : vector<4096x8xi1>, vector<4096x8xi32>
      %reduce_min3A_27 = arith.constant dense<2147483647> : vector<4096xi32>
      %reduce_min3A_28 = vector.multi_reduction <minsi>, %select_n3A_26, %reduce_min3A_27 [1] : vector<4096x8xi32> to vector<4096xi32>
      %broadcast_in_dim3A_29 = vector.shape_cast %reduce_min3A_28 : vector<4096xi32> to vector<4096x1xi32>
      %sub3A = arith.subf %broadcast_in_dim3A_21, %broadcast_in_dim3A : vector<4096x1xf32>
      %exp3A = math.exp %sub3A : vector<4096x1xf32>
      %add3A = arith.constant 1.000000e+00 : f32
      %add3A_30 = vector.broadcast %add3A : f32 to vector<4096x1xf32>
      %add3A_31 = arith.addf %add3A_30, %exp3A : vector<4096x1xf32>
      %div3A = arith.constant 1.000000e+00 : f32
      %div3A_32 = vector.broadcast %div3A : f32 to vector<4096x1xf32>
      %div3A_33 = arith.divf %div3A_32, %add3A_31 : vector<4096x1xf32>
      %add3A_34 = arith.constant 1.000000e+00 : f32
      %add3A_35 = vector.broadcast %add3A_34 : f32 to vector<4096x1xf32>
      %add3A_36 = arith.addf %add3A_35, %exp3A : vector<4096x1xf32>
      %div3A_37 = arith.divf %exp3A, %add3A_36 : vector<4096x1xf32>
      %eq3A_38 = vector.broadcast %broadcast_in_dim3A_13 : vector<4096x1xi32> to vector<4096x8xi32>
      %eq3A_39 = arith.cmpi eq, %iota3A, %eq3A_38 : vector<4096x8xi32>
      %convert_element_type3A_40 = arith.extui %eq3A_39 : vector<4096x8xi1> to vector<4096x8xi32>
      %convert_element_type3A_41 = arith.sitofp %convert_element_type3A_40 : vector<4096x8xi32> to vector<4096x8xf32>
      %eq3A_42 = vector.broadcast %broadcast_in_dim3A_29 : vector<4096x1xi32> to vector<4096x8xi32>
      %eq3A_43 = arith.cmpi eq, %iota3A, %eq3A_42 : vector<4096x8xi32>
      %convert_element_type3A_44 = arith.extui %eq3A_43 : vector<4096x8xi1> to vector<4096x8xi32>
      %convert_element_type3A_45 = arith.sitofp %convert_element_type3A_44 : vector<4096x8xi32> to vector<4096x8xf32>
      %add3A_46 = arith.addf %convert_element_type3A_41, %convert_element_type3A_45 : vector<4096x8xf32>
      %swap3A = arith.constant 0 : index
      %swap3A_47 = arith.constant 0 : index
      %swap3A_48 = vector.load %arg17[%swap3A, %swap3A_47] : memref<4096x8xf32, #tpu.memory_space<vmem>>, vector<4096x8xf32>
      tpu.vector_store %arg17[%swap3A, %swap3A_47], %add3A_46 {strides = array<i32>} : memref<4096x8xf32, #tpu.memory_space<vmem>>, vector<4096x8xf32>,
      %iota3A_49 = tpu.iota {dimensions = array<i32: 0>} : vector<128x128xi32>
      %iota3A_50 = tpu.iota {dimensions = array<i32: 1>} : vector<128x128xi32>
      %gt3A = arith.cmpi sgt, %iota3A_49, %iota3A_50 : vector<128x128xi32>
      %convert_element_type3A_51 = arith.extui %gt3A : vector<128x128xi1> to vector<128x128xi32>
      %convert_element_type3A_52 = arith.sitofp %convert_element_type3A_51 : vector<128x128xi32> to vector<128x128xf32>
      %broadcast_in_dim3A_53 = arith.constant 0.000000e+00 : f32
      %broadcast_in_dim3A_54 = vector.broadcast %broadcast_in_dim3A_53 : f32 to vector<1x8xf32>
      %scan3A = arith.constant 0 : i32
      %scan3A_55 = arith.constant 32 : i32
      %scan3A_56 = arith.addi %scan3A, %scan3A_55 : i32
      %scan3A_57 = arith.constant 1 : i32
      %scan3A_58 = scf.for %scan3A_175 = %scan3A to %scan3A_56 step %scan3A_57 iter_args(%scan3A_176 = %broadcast_in_dim3A_54) -> (vector<1x8xf32>)  : i32 {
        %mul3A_177 = arith.constant 128 : i32
        %mul3A_178 = arith.muli %scan3A_175, %mul3A_177 : i32
        %get3A_179 = arith.index_cast %mul3A_178 : i32 to index
        %get3A_180 = arith.constant 0 : index
        %get3A_181 = vector.load %arg17[%get3A_179, %get3A_180] : memref<4096x8xf32, #tpu.memory_space<vmem>>, vector<128x8xf32>
        %dot_general3A_182 = arith.constant dense<0.000000e+00> : vector<128x8xf32>
        %dot_general3A_183 = tpu.matmul %convert_element_type3A_52, %get3A_181, %dot_general3A_182 {dimension_numbers = #tpu.dot_dimension_numbers<[1], [0], [0], [1], [0, 0, 1, 1], [], []>, transpose_lhs_hint = false} : vector<128x128xf32>, vector<128x8xf32>, vector<128x8xf32> -> vector<128x8xf32>
        %add3A_184 = vector.broadcast %scan3A_176 : vector<1x8xf32> to vector<128x8xf32>
        %add3A_185 = arith.addf %dot_general3A_183, %add3A_184 : vector<128x8xf32>
        %mul3A_186 = arith.constant 128 : i32
        %mul3A_187 = arith.muli %scan3A_175, %mul3A_186 : i32
        %swap3A_188 = arith.index_cast %mul3A_187 : i32 to index
        %swap3A_189 = arith.constant 0 : index
        %swap3A_190 = vector.load %arg18[%swap3A_188, %swap3A_189] : memref<4096x8xf32, #tpu.memory_space<vmem>>, vector<128x8xf32>
        tpu.vector_store %arg18[%swap3A_188, %swap3A_189], %add3A_185 {strides = array<i32>} : memref<4096x8xf32, #tpu.memory_space<vmem>>, vector<128x8xf32>,
        %reduce_sum3A_191 = arith.constant dense<0.000000e+00> : vector<8xf32>
        %reduce_sum3A_192 = vector.multi_reduction <add>, %get3A_181, %reduce_sum3A_191 [0] : vector<128x8xf32> to vector<8xf32>
        %broadcast_in_dim3A_193 = vector.shape_cast %reduce_sum3A_192 : vector<8xf32> to vector<1x8xf32>
        %add3A_194 = arith.addf %scan3A_176, %broadcast_in_dim3A_193 : vector<1x8xf32>
        scf.yield %add3A_194 : vector<1x8xf32>
      }
      %scan3A_59 = arith.constant 32 : i32
      %convert_element_type3A_60 = arith.fptosi %scan3A_58 : vector<1x8xf32> to vector<1x8xi32>
      %add3A_61 = arith.constant 256 : i32
      %add3A_62 = vector.broadcast %add3A_61 : i32 to vector<1x8xi32>
      %add3A_63 = arith.addi %convert_element_type3A_60, %add3A_62 : vector<1x8xi32>
      %sub3A_64 = arith.constant 1 : i32
      %sub3A_65 = vector.broadcast %sub3A_64 : i32 to vector<1x8xi32>
      %sub3A_66 = arith.subi %add3A_63, %sub3A_65 : vector<1x8xi32>
      %jit3A_67 = arith.constant 256 : i32
      %div3A_68 = vector.broadcast %jit3A_67 : i32 to vector<1x8xi32>
      %div3A_69 = arith.divsi %sub3A_66, %div3A_68 : vector<1x8xi32>
      %sign3A = arith.constant 0 : i32
      %sign3A_70 = vector.broadcast %sign3A : i32 to vector<1x8xi32>
      %sign3A_71 = arith.cmpi sgt, %sub3A_66, %sign3A_70 : vector<1x8xi32>
      %sign3A_72 = arith.extui %sign3A_71 : vector<1x8xi1> to vector<1x8xi32>
      %sign3A_73 = arith.constant 0 : i32
      %sign3A_74 = vector.broadcast %sign3A_73 : i32 to vector<1x8xi32>
      %sign3A_75 = arith.cmpi slt, %sub3A_66, %sign3A_74 : vector<1x8xi32>
      %sign3A_76 = arith.extui %sign3A_75 : vector<1x8xi1> to vector<1x8xi32>
      %sign3A_77 = arith.subi %sign3A_72, %sign3A_76 : vector<1x8xi32>
      %sign3A_78 = arith.constant 0 : i32
      %sign3A_79 = arith.cmpi sgt, %jit3A_67, %sign3A_78 : i32
      %sign3A_80 = arith.extui %sign3A_79 : i1 to i32
      %sign3A_81 = arith.constant 0 : i32
      %sign3A_82 = arith.cmpi slt, %jit3A_67, %sign3A_81 : i32
      %sign3A_83 = arith.extui %sign3A_82 : i1 to i32
      %sign3A_84 = arith.subi %sign3A_80, %sign3A_83 : i32
      %ne3A = vector.broadcast %sign3A_84 : i32 to vector<1x8xi32>
      %ne3A_85 = arith.cmpi ne, %sign3A_77, %ne3A : vector<1x8xi32>
      %rem3A = vector.broadcast %jit3A_67 : i32 to vector<1x8xi32>
      %rem3A_86 = arith.remsi %sub3A_66, %rem3A : vector<1x8xi32>
      %ne3A_87 = arith.constant 0 : i32
      %ne3A_88 = vector.broadcast %ne3A_87 : i32 to vector<1x8xi32>
      %ne3A_89 = arith.cmpi ne, %rem3A_86, %ne3A_88 : vector<1x8xi32>
      %and3A = arith.andi %ne3A_85, %ne3A_89 : vector<1x8xi1>
      %sub3A_90 = arith.constant 1 : i32
      %sub3A_91 = vector.broadcast %sub3A_90 : i32 to vector<1x8xi32>
      %sub3A_92 = arith.subi %div3A_69, %sub3A_91 : vector<1x8xi32>
      %select_n3A_93 = arith.select %and3A, %sub3A_92, %div3A_69 : vector<1x8xi1>, vector<1x8xi32>
      %mul3A = arith.constant 256 : i32
      %mul3A_94 = vector.broadcast %mul3A : i32 to vector<1x8xi32>
      %mul3A_95 = arith.muli %select_n3A_93, %mul3A_94 : vector<1x8xi32>
      %convert_element_type3A_96 = arith.sitofp %mul3A_95 : vector<1x8xi32> to vector<1x8xf32>
      %iota3A_97 = tpu.iota {dimensions = array<i32: 0>} : vector<8x8xi32>
      %iota3A_98 = tpu.iota {dimensions = array<i32: 1>} : vector<8x8xi32>
      %lt3A_99 = arith.cmpi slt, %iota3A_97, %iota3A_98 : vector<8x8xi32>
      %convert_element_type3A_100 = arith.extui %lt3A_99 : vector<8x8xi1> to vector<8x8xi32>
      %convert_element_type3A_101 = arith.sitofp %convert_element_type3A_100 : vector<8x8xi32> to vector<8x8xf32>
      %dot_general3A = arith.constant dense<0.000000e+00> : vector<1x8xf32>
      %dot_general3A_102 = tpu.matmul %convert_element_type3A_96, %convert_element_type3A_101, %dot_general3A {dimension_numbers = #tpu.dot_dimension_numbers<[1], [0], [0], [1], [0, 0, 1, 1], [], []>, transpose_lhs_hint = false} : vector<1x8xf32>, vector<8x8xf32>, vector<1x8xf32> -> vector<1x8xf32>
      %get3A_103 = arith.constant 0 : index
      %get3A_104 = arith.constant 0 : index
      %get3A_105 = vector.load %arg18[%get3A_103, %get3A_104] : memref<4096x8xf32, #tpu.memory_space<vmem>>, vector<4096x8xf32>
      %mul3A_106 = arith.mulf %convert_element_type3A_41, %get3A_105 : vector<4096x8xf32>
      %reduce_sum3A = arith.constant dense<0.000000e+00> : vector<4096xf32>
      %reduce_sum3A_107 = vector.multi_reduction <add>, %mul3A_106, %reduce_sum3A [1] : vector<4096x8xf32> to vector<4096xf32>
      %broadcast_in_dim3A_108 = vector.shape_cast %reduce_sum3A_107 : vector<4096xf32> to vector<4096x1xf32>
      %mul3A_109 = arith.mulf %convert_element_type3A_45, %get3A_105 : vector<4096x8xf32>
      %reduce_sum3A_110 = arith.constant dense<0.000000e+00> : vector<4096xf32>
      %reduce_sum3A_111 = vector.multi_reduction <add>, %mul3A_109, %reduce_sum3A_110 [1] : vector<4096x8xf32> to vector<4096xf32>
      %broadcast_in_dim3A_112 = vector.shape_cast %reduce_sum3A_111 : vector<4096xf32> to vector<4096x1xf32>
      %mul3A_113 = vector.broadcast %dot_general3A_102 : vector<1x8xf32> to vector<4096x8xf32>
      %mul3A_114 = arith.mulf %convert_element_type3A_41, %mul3A_113 : vector<4096x8xf32>
      %reduce_sum3A_115 = arith.constant dense<0.000000e+00> : vector<4096xf32>
      %reduce_sum3A_116 = vector.multi_reduction <add>, %mul3A_114, %reduce_sum3A_115 [1] : vector<4096x8xf32> to vector<4096xf32>
      %broadcast_in_dim3A_117 = vector.shape_cast %reduce_sum3A_116 : vector<4096xf32> to vector<4096x1xf32>
      %mul3A_118 = vector.broadcast %dot_general3A_102 : vector<1x8xf32> to vector<4096x8xf32>
      %mul3A_119 = arith.mulf %convert_element_type3A_45, %mul3A_118 : vector<4096x8xf32>
      %reduce_sum3A_120 = arith.constant dense<0.000000e+00> : vector<4096xf32>
      %reduce_sum3A_121 = vector.multi_reduction <add>, %mul3A_119, %reduce_sum3A_120 [1] : vector<4096x8xf32> to vector<4096xf32>
      %broadcast_in_dim3A_122 = vector.shape_cast %reduce_sum3A_121 : vector<4096xf32> to vector<4096x1xf32>
      %add3A_123 = arith.addf %broadcast_in_dim3A_108, %broadcast_in_dim3A_117 : vector<4096x1xf32>
      %convert_element_type3A_124 = arith.fptosi %add3A_123 : vector<4096x1xf32> to vector<4096x1xi32>
      %add3A_125 = arith.addf %broadcast_in_dim3A_112, %broadcast_in_dim3A_122 : vector<4096x1xf32>
      %convert_element_type3A_126 = arith.fptosi %add3A_125 : vector<4096x1xf32> to vector<4096x1xi32>
      %concatenate3A = tpu.concatenate %convert_element_type3A_124, %convert_element_type3A_126 in 1 : vector<4096x1xi32>, vector<4096x1xi32> -> vector<4096x2xi32>
      %swap3A_127 = arith.constant 0 : index
      %swap3A_128 = arith.constant 0 : index
      %swap3A_129 = vector.load %arg10[%swap3A_127, %swap3A_128] : memref<4096x2xi32, #tpu.memory_space<vmem>>, vector<4096x2xi32>
      tpu.vector_store %arg10[%swap3A_127, %swap3A_128], %concatenate3A {strides = array<i32>} : memref<4096x2xi32, #tpu.memory_space<vmem>>, vector<4096x2xi32>,
      %iota3A_130 = tpu.iota {dimensions = array<i32: 0>} : vector<4096x1xi32>
      %ge3A = arith.constant 2048 : i32
      %ge3A_131 = vector.broadcast %ge3A : i32 to vector<4096x1xi32>
      %ge3A_132 = arith.cmpi sge, %iota3A_130, %ge3A_131 : vector<4096x1xi32>
      %convert_element_type3A_133 = arith.extui %ge3A_132 : vector<4096x1xi1> to vector<4096x1xi32>
      %convert_element_type3A_134 = arith.sitofp %convert_element_type3A_133 : vector<4096x1xi32> to vector<4096x1xf32>
      %broadcast_in_dim3A_135 = arith.constant 0.000000e+00 : f32
      %broadcast_in_dim3A_136 = vector.broadcast %broadcast_in_dim3A_135 : f32 to vector<4096x126xf32>
      %concatenate3A_137 = tpu.concatenate %div3A_33, %convert_element_type3A_134, %broadcast_in_dim3A_136, %div3A_37, %convert_element_type3A_134, %broadcast_in_dim3A_136 in 1 : vector<4096x1xf32>, vector<4096x1xf32>, vector<4096x126xf32>, vector<4096x1xf32>, vector<4096x1xf32>, vector<4096x126xf32> -> vector<4096x256xf32>
      %swap3A_138 = arith.constant 0 : index
      %swap3A_139 = arith.constant 0 : index
      %swap3A_140 = vector.load %arg11[%swap3A_138, %swap3A_139] : memref<4096x256xf32, #tpu.memory_space<vmem>>, vector<4096x256xf32>
      tpu.vector_store %arg11[%swap3A_138, %swap3A_139], %concatenate3A_137 {strides = array<i32>} : memref<4096x256xf32, #tpu.memory_space<vmem>>, vector<4096x256xf32>,
      %iota3A_141 = tpu.iota {dimensions = array<i32: 0>} : vector<40x8xi32>
      %mul3A_142 = arith.constant 256 : i32
      %mul3A_143 = vector.broadcast %mul3A_142 : i32 to vector<40x8xi32>
      %mul3A_144 = arith.muli %iota3A_141, %mul3A_143 : vector<40x8xi32>
      %convert_element_type3A_145 = arith.fptosi %dot_general3A_102 : vector<1x8xf32> to vector<1x8xi32>
      %ge3A_146 = vector.broadcast %convert_element_type3A_145 : vector<1x8xi32> to vector<40x8xi32>
      %ge3A_147 = arith.cmpi sge, %mul3A_144, %ge3A_146 : vector<40x8xi32>
      %convert_element_type3A_148 = arith.extui %ge3A_147 : vector<40x8xi1> to vector<40x8xi32>
      %reduce_sum3A_149 = arith.constant dense<0> : vector<40xi32>
      %reduce_sum3A_150 = vector.multi_reduction <add>, %convert_element_type3A_148, %reduce_sum3A_149 [1] : vector<40x8xi32> to vector<40xi32>
      %broadcast_in_dim3A_151 = vector.shape_cast %reduce_sum3A_150 : vector<40xi32> to vector<40x1xi32>
      %sub3A_152 = arith.constant 1 : i32
      %sub3A_153 = vector.broadcast %sub3A_152 : i32 to vector<40x1xi32>
      %sub3A_154 = arith.subi %broadcast_in_dim3A_151, %sub3A_153 : vector<40x1xi32>
      %swap3A_155 = arith.constant 0 : index
      %swap3A_156 = arith.constant 0 : index
      %swap3A_157 = vector.load %arg12[%swap3A_155, %swap3A_156] : memref<40x1xi32, #tpu.memory_space<vmem>>, vector<40x1xi32>
      tpu.vector_store %arg12[%swap3A_155, %swap3A_156], %sub3A_154 {strides = array<i32>} : memref<40x1xi32, #tpu.memory_space<vmem>>, vector<40x1xi32>,
      %convert_element_type3A_158 = arith.fptosi %scan3A_58 : vector<1x8xf32> to vector<1x8xi32>
      %swap3A_159 = arith.constant 0 : index
      %swap3A_160 = arith.constant 0 : index
      %swap3A_161 = vector.load %arg13[%swap3A_159, %swap3A_160] : memref<1x8xi32, #tpu.memory_space<vmem>>, vector<1x8xi32>
      tpu.vector_store %arg13[%swap3A_159, %swap3A_160], %convert_element_type3A_158 {strides = array<i32>} : memref<1x8xi32, #tpu.memory_space<vmem>>, vector<1x8xi32>,
      %swap3A_162 = arith.constant 0 : index
      %swap3A_163 = arith.constant 0 : index
      %swap3A_164 = vector.load %arg14[%swap3A_162, %swap3A_163] : memref<1x8xi32, #tpu.memory_space<vmem>>, vector<1x8xi32>
      tpu.vector_store %arg14[%swap3A_162, %swap3A_163], %convert_element_type3A_145 {strides = array<i32>} : memref<1x8xi32, #tpu.memory_space<vmem>>, vector<1x8xi32>,
      %get3A_165 = arith.constant 0 : index
      %get3A_166 = arith.constant 0 : index
      %get3A_167 = vector.load %arg19[%get3A_165, %get3A_166] : memref<1x768xf32, #tpu.memory_space<vmem>>, vector<1x768xf32>
      %get3A_168 = arith.constant 0 : index
      %get3A_169 = arith.constant 0 : index
      %get3A_170 = vector.load %arg20[%get3A_168, %get3A_169] : memref<1x768xf32, #tpu.memory_space<vmem>>, vector<1x768xf32>
      %concatenate3A_171 = tpu.concatenate %get3A_167, %get3A_170 in 0 : vector<1x768xf32>, vector<1x768xf32> -> vector<2x768xf32>
      %swap3A_172 = arith.constant 0 : index
      %swap3A_173 = arith.constant 0 : index
      %swap3A_174 = vector.load %arg15[%swap3A_172, %swap3A_173] : memref<2x768xf32, #tpu.memory_space<vmem>>, vector<2x768xf32>
      tpu.vector_store %arg15[%swap3A_172, %swap3A_173], %concatenate3A_171 {strides = array<i32>} : memref<2x768xf32, #tpu.memory_space<vmem>>, vector<2x768xf32>,
    } else {
    }
    return
  }
  func.func @transform_0(%arg0: i32) -> (i32, i32) {
    %min3A = arith.constant 7 : i32
    %min3A_0 = arith.minsi %arg0, %min3A : i32
    %c0_i32 = arith.constant 0 : i32
    %c0_i32_1 = arith.constant 0 : i32
    return %min3A_0, %c0_i32 : i32, i32
  }
  func.func @transform_1(%arg0: i32) -> (i32, i32) {
    %c0_i32 = arith.constant 0 : i32
    %c0_i32_0 = arith.constant 0 : i32
    %c0_i32_1 = arith.constant 0 : i32
    return %c0_i32, %c0_i32_0 : i32, i32
  }
  func.func @transform_2(%arg0: i32) -> (i32, i32) {
    %c0_i32 = arith.constant 0 : i32
    %c0_i32_0 = arith.constant 0 : i32
    %c0_i32_1 = arith.constant 0 : i32
    return %c0_i32, %c0_i32_0 : i32, i32
  }
  func.func @transform_3(%arg0: i32) -> (i32, i32) {
    %min3A = arith.constant 7 : i32
    %min3A_0 = arith.minsi %arg0, %min3A : i32
    %c0_i32 = arith.constant 0 : i32
    %c0_i32_1 = arith.constant 0 : i32
    return %min3A_0, %c0_i32 : i32, i32
  }
  func.func @transform_4(%arg0: i32) -> (i32, i32) {
    %c0_i32 = arith.constant 0 : i32
    %c0_i32_0 = arith.constant 0 : i32
    %c0_i32_1 = arith.constant 0 : i32
    return %c0_i32, %c0_i32_0 : i32, i32
  }
  func.func @transform_5(%arg0: i32) -> (i32, i32) {
    %c0_i32 = arith.constant 0 : i32
    %c0_i32_0 = arith.constant 0 : i32
    %c0_i32_1 = arith.constant 0 : i32
    return %c0_i32, %c0_i32_0 : i32, i32
  }
  func.func @transform_6(%arg0: i32) -> (i32, i32) {
    %c0_i32 = arith.constant 0 : i32
    %c0_i32_0 = arith.constant 0 : i32
    %c0_i32_1 = arith.constant 0 : i32
    return %c0_i32, %c0_i32_0 : i32, i32
  }
  func.func @transform_7(%arg0: i32) -> (i32, i32) {
    %c0_i32 = arith.constant 0 : i32
    %c0_i32_0 = arith.constant 0 : i32
    %c0_i32_1 = arith.constant 0 : i32
    return %c0_i32, %c0_i32_0 : i32, i32
  }
  func.func @transform_8(%arg0: i32) -> (i32, i32) {
    %min3A = arith.constant 7 : i32
    %min3A_0 = arith.minsi %arg0, %min3A : i32
    %c0_i32 = arith.constant 0 : i32
    %c0_i32_1 = arith.constant 0 : i32
    return %min3A_0, %c0_i32 : i32, i32
  }
  func.func @transform_9(%arg0: i32) -> (i32, i32) {
    %c0_i32 = arith.constant 0 : i32
    %c0_i32_0 = arith.constant 0 : i32
    %c0_i32_1 = arith.constant 0 : i32
    return %c0_i32, %c0_i32_0 : i32, i32
  }
  func.func @transform_10(%arg0: i32) -> (i32, i32) {
    %c0_i32 = arith.constant 0 : i32
    %c0_i32_0 = arith.constant 0 : i32
    %c0_i32_1 = arith.constant 0 : i32
    return %c0_i32, %c0_i32_0 : i32, i32
  }
  func.func @transform_11(%arg0: i32) -> (i32, i32) {
    %c0_i32 = arith.constant 0 : i32
    %c0_i32_0 = arith.constant 0 : i32
    %c0_i32_1 = arith.constant 0 : i32
    return %c0_i32, %c0_i32_0 : i32, i32
  }
  func.func @transform_12(%arg0: i32) -> (i32, i32) {
    %c0_i32 = arith.constant 0 : i32
    %c0_i32_0 = arith.constant 0 : i32
    %c0_i32_1 = arith.constant 0 : i32
    return %c0_i32, %c0_i32_0 : i32, i32
  }
  func.func @transform_13(%arg0: i32) -> (i32, i32) {
    %c0_i32 = arith.constant 0 : i32
    %c0_i32_0 = arith.constant 0 : i32
    %c0_i32_1 = arith.constant 0 : i32
    return %c0_i32, %c0_i32_0 : i32, i32
  }
  func.func @transform_14(%arg0: i32) -> (i32, i32) {
    %c0_i32 = arith.constant 0 : i32
    %c0_i32_0 = arith.constant 0 : i32
    %c0_i32_1 = arith.constant 0 : i32
    return %c0_i32, %c0_i32_0 : i32, i32
  }
}

module attributes {stable_mosaic.version = 14 : i64} {
  func.func @_attn_body(%arg0: i32, %arg1: i32, %arg2: i32, %arg3: memref<2048x128xf32, #tpu.memory_space<vmem>>, %arg4: memref<2048x128xf32, #tpu.memory_space<vmem>>, %arg5: memref<2048x128xf32, #tpu.memory_space<vmem>>, %arg6: memref<2048x128xf32, #tpu.memory_space<vmem>>) attributes {dimension_semantics = [#tpu.dimension_semantics<arbitrary>, #tpu.dimension_semantics<arbitrary>, #tpu.dimension_semantics<arbitrary>], iteration_bounds = array<i64: 2, 6, 1>, scalar_prefetch = 0 : i64, scratch_operands = 0 : i64, tpu.core_type = #tpu.core_type<tc>, window_params = [{transform_indices = @transform_0, window_bounds = array<i64: 2048, 128>}, {transform_indices = @transform_1, window_bounds = array<i64: 2048, 128>}, {transform_indices = @transform_2, window_bounds = array<i64: 2048, 128>}, {transform_indices = @transform_3, window_bounds = array<i64: 2048, 128>}]} {
    %get3A = arith.constant 0 : index
    %get3A_0 = arith.constant 0 : index
    %get3A_1 = vector.load %arg3[%get3A, %get3A_0] : memref<2048x128xf32, #tpu.memory_space<vmem>>, vector<2048x64xf32>
    %mul3A = arith.constant 1.250000e-01 : f32
    %mul3A_2 = vector.broadcast %mul3A : f32 to vector<2048x64xf32>
    %mul3A_3 = arith.mulf %get3A_1, %mul3A_2 : vector<2048x64xf32>
    %get3A_4 = arith.constant 0 : index
    %get3A_5 = arith.constant 0 : index
    %get3A_6 = vector.load %arg4[%get3A_4, %get3A_5] : memref<2048x128xf32, #tpu.memory_space<vmem>>, vector<2048x64xf32>
    %get3A_7 = arith.constant 0 : index
    %get3A_8 = arith.constant 0 : index
    %get3A_9 = vector.load %arg5[%get3A_7, %get3A_8] : memref<2048x128xf32, #tpu.memory_space<vmem>>, vector<2048x64xf32>
    %dot_general3A = arith.constant dense<0.000000e+00> : vector<2048x2048xf32>
    %dot_general3A_10 = tpu.matmul %mul3A_3, %get3A_6, %dot_general3A {dimension_numbers = #tpu.dot_dimension_numbers<[1], [1], [0], [0], [0, 0, 1, 0], [], []>, transpose_lhs_hint = false} : vector<2048x64xf32>, vector<2048x64xf32>, vector<2048x2048xf32> -> vector<2048x2048xf32>
    %exp3A = math.exp %dot_general3A_10 : vector<2048x2048xf32>
    %broadcast_in_dim3A = arith.constant 1.000000e+00 : f32
    %broadcast_in_dim3A_11 = vector.broadcast %broadcast_in_dim3A : f32 to vector<2048x1xf32>
    %concatenate3A = tpu.concatenate %get3A_9, %broadcast_in_dim3A_11 in 1 : vector<2048x64xf32>, vector<2048x1xf32> -> vector<2048x65xf32>
    %dot_general3A_12 = arith.constant dense<0.000000e+00> : vector<2048x65xf32>
    %dot_general3A_13 = tpu.matmul %exp3A, %concatenate3A, %dot_general3A_12 {dimension_numbers = #tpu.dot_dimension_numbers<[1], [0], [0], [1], [0, 0, 1, 1], [], []>, transpose_lhs_hint = false} : vector<2048x2048xf32>, vector<2048x65xf32>, vector<2048x65xf32> -> vector<2048x65xf32>
    %slice3A = vector.extract_strided_slice %dot_general3A_13 {offsets = [0, 0], sizes = [2048, 64], strides = [1, 1]} : vector<2048x65xf32> to vector<2048x64xf32>
    %slice3A_14 = vector.extract_strided_slice %dot_general3A_13 {offsets = [0, 64], sizes = [2048, 1], strides = [1, 1]} : vector<2048x65xf32> to vector<2048x1xf32>
    %div3A = arith.constant 1.000000e+00 : f32
    %div3A_15 = vector.broadcast %div3A : f32 to vector<2048x1xf32>
    %div3A_16 = arith.divf %div3A_15, %slice3A_14 : vector<2048x1xf32>
    %mul3A_17 = vector.broadcast %div3A_16 : vector<2048x1xf32> to vector<2048x64xf32>
    %mul3A_18 = arith.mulf %slice3A, %mul3A_17 : vector<2048x64xf32>
    %get3A_19 = arith.constant 0 : index
    %get3A_20 = arith.constant 64 : index
    %get3A_21 = vector.load %arg3[%get3A_19, %get3A_20] : memref<2048x128xf32, #tpu.memory_space<vmem>>, vector<2048x64xf32>
    %mul3A_22 = arith.constant 1.250000e-01 : f32
    %mul3A_23 = vector.broadcast %mul3A_22 : f32 to vector<2048x64xf32>
    %mul3A_24 = arith.mulf %get3A_21, %mul3A_23 : vector<2048x64xf32>
    %get3A_25 = arith.constant 0 : index
    %get3A_26 = arith.constant 64 : index
    %get3A_27 = vector.load %arg4[%get3A_25, %get3A_26] : memref<2048x128xf32, #tpu.memory_space<vmem>>, vector<2048x64xf32>
    %get3A_28 = arith.constant 0 : index
    %get3A_29 = arith.constant 64 : index
    %get3A_30 = vector.load %arg5[%get3A_28, %get3A_29] : memref<2048x128xf32, #tpu.memory_space<vmem>>, vector<2048x64xf32>
    %dot_general3A_31 = arith.constant dense<0.000000e+00> : vector<2048x2048xf32>
    %dot_general3A_32 = tpu.matmul %mul3A_24, %get3A_27, %dot_general3A_31 {dimension_numbers = #tpu.dot_dimension_numbers<[1], [1], [0], [0], [0, 0, 1, 0], [], []>, transpose_lhs_hint = false} : vector<2048x64xf32>, vector<2048x64xf32>, vector<2048x2048xf32> -> vector<2048x2048xf32>
    %exp3A_33 = math.exp %dot_general3A_32 : vector<2048x2048xf32>
    %broadcast_in_dim3A_34 = arith.constant 1.000000e+00 : f32
    %broadcast_in_dim3A_35 = vector.broadcast %broadcast_in_dim3A_34 : f32 to vector<2048x1xf32>
    %concatenate3A_36 = tpu.concatenate %get3A_30, %broadcast_in_dim3A_35 in 1 : vector<2048x64xf32>, vector<2048x1xf32> -> vector<2048x65xf32>
    %dot_general3A_37 = arith.constant dense<0.000000e+00> : vector<2048x65xf32>
    %dot_general3A_38 = tpu.matmul %exp3A_33, %concatenate3A_36, %dot_general3A_37 {dimension_numbers = #tpu.dot_dimension_numbers<[1], [0], [0], [1], [0, 0, 1, 1], [], []>, transpose_lhs_hint = false} : vector<2048x2048xf32>, vector<2048x65xf32>, vector<2048x65xf32> -> vector<2048x65xf32>
    %slice3A_39 = vector.extract_strided_slice %dot_general3A_38 {offsets = [0, 0], sizes = [2048, 64], strides = [1, 1]} : vector<2048x65xf32> to vector<2048x64xf32>
    %slice3A_40 = vector.extract_strided_slice %dot_general3A_38 {offsets = [0, 64], sizes = [2048, 1], strides = [1, 1]} : vector<2048x65xf32> to vector<2048x1xf32>
    %div3A_41 = arith.constant 1.000000e+00 : f32
    %div3A_42 = vector.broadcast %div3A_41 : f32 to vector<2048x1xf32>
    %div3A_43 = arith.divf %div3A_42, %slice3A_40 : vector<2048x1xf32>
    %mul3A_44 = vector.broadcast %div3A_43 : vector<2048x1xf32> to vector<2048x64xf32>
    %mul3A_45 = arith.mulf %slice3A_39, %mul3A_44 : vector<2048x64xf32>
    %concatenate3A_46 = tpu.concatenate %mul3A_18, %mul3A_45 in 1 : vector<2048x64xf32>, vector<2048x64xf32> -> vector<2048x128xf32>
    %swap3A = arith.constant 0 : index
    %swap3A_47 = arith.constant 0 : index
    %swap3A_48 = vector.load %arg6[%swap3A, %swap3A_47] : memref<2048x128xf32, #tpu.memory_space<vmem>>, vector<2048x128xf32>
    tpu.vector_store %arg6[%swap3A, %swap3A_47], %concatenate3A_46 {strides = array<i32>} : memref<2048x128xf32, #tpu.memory_space<vmem>>, vector<2048x128xf32>,
    return
  }
  func.func @transform_0(%arg0: i32, %arg1: i32, %arg2: i32) -> (i32, i32) {
    %mul3A = arith.constant 1 : i32
    %mul3A_0 = arith.muli %arg0, %mul3A : i32
    %add3A = arith.addi %mul3A_0, %arg2 : i32
    %c0_i32 = arith.constant 0 : i32
    return %add3A, %arg1 : i32, i32
  }
  func.func @transform_1(%arg0: i32, %arg1: i32, %arg2: i32) -> (i32, i32) {
    %add3A = arith.constant 6 : i32
    %add3A_0 = arith.addi %add3A, %arg1 : i32
    %c0_i32 = arith.constant 0 : i32
    return %arg0, %add3A_0 : i32, i32
  }
  func.func @transform_2(%arg0: i32, %arg1: i32, %arg2: i32) -> (i32, i32) {
    %add3A = arith.constant 12 : i32
    %add3A_0 = arith.addi %add3A, %arg1 : i32
    %c0_i32 = arith.constant 0 : i32
    return %arg0, %add3A_0 : i32, i32
  }
  func.func @transform_3(%arg0: i32, %arg1: i32, %arg2: i32) -> (i32, i32) {
    %mul3A = arith.constant 1 : i32
    %mul3A_0 = arith.muli %arg0, %mul3A : i32
    %add3A = arith.addi %mul3A_0, %arg2 : i32
    %c0_i32 = arith.constant 0 : i32
    return %add3A, %arg1 : i32, i32
  }
}

module attributes {stable_mosaic.version = 14 : i64} {
  func.func @_ffn_body(%arg0: i32, %arg1: memref<40xi32, #tpu.memory_space<smem>>, %arg2: memref<8xi32, #tpu.memory_space<smem>>, %arg3: memref<8xi32, #tpu.memory_space<smem>>, %arg4: memref<256x768xf32, #tpu.memory_space<vmem>>, %arg5: memref<256x128xf32, #tpu.memory_space<vmem>>, %arg6: memref<1x768x2048xf32, #tpu.memory_space<vmem>>, %arg7: memref<1x1x2048xf32, #tpu.memory_space<vmem>>, %arg8: memref<1x2048x768xf32, #tpu.memory_space<vmem>>, %arg9: memref<1x1x768xf32, #tpu.memory_space<vmem>>, %arg10: memref<2x768xf32, #tpu.memory_space<vmem>>, %arg11: memref<768x768xf32, #tpu.memory_space<vmem>>, %arg12: memref<1x768xf32, #tpu.memory_space<vmem>>, %arg13: memref<2x768xf32, #tpu.memory_space<vmem>>, %arg14: memref<2x768xf32, #tpu.memory_space<vmem>>) attributes {dimension_semantics = [#tpu.dimension_semantics<arbitrary>], iteration_bounds = array<i64: 40>, scalar_prefetch = 3 : i64, scratch_operands = 1 : i64, tpu.core_type = #tpu.core_type<tc>, window_params = [{transform_indices = @transform_0, window_bounds = array<i64: 256, 768>}, {transform_indices = @transform_1, window_bounds = array<i64: 256, 128>}, {transform_indices = @transform_2, window_bounds = array<i64: 1, 768, 2048>}, {transform_indices = @transform_3, window_bounds = array<i64: 1, 1, 2048>}, {transform_indices = @transform_4, window_bounds = array<i64: 1, 2048, 768>}, {transform_indices = @transform_5, window_bounds = array<i64: 1, 1, 768>}, {pipeline_mode = #tpu.pipeline_mode<synchronous>, transform_indices = @transform_6, window_bounds = array<i64: 2, 768>}, {pipeline_mode = #tpu.pipeline_mode<synchronous>, transform_indices = @transform_7, window_bounds = array<i64: 768, 768>}, {pipeline_mode = #tpu.pipeline_mode<synchronous>, transform_indices = @transform_8, window_bounds = array<i64: 1, 768>}, {pipeline_mode = #tpu.pipeline_mode<synchronous>, transform_indices = @transform_9, window_bounds = array<i64: 2, 768>}]} {
    %get3A = arith.index_cast %arg0 : i32 to index
    %get3A_0 = memref.load %arg1[%get3A] : memref<40xi32, #tpu.memory_space<smem>>
    %get3A_1 = arith.constant 0 : index
    %get3A_2 = arith.constant 0 : index
    %get3A_3 = vector.load %arg4[%get3A_1, %get3A_2] : memref<256x768xf32, #tpu.memory_space<vmem>>, vector<256x768xf32>
    %get3A_4 = arith.constant 0 : index
    %get3A_5 = arith.constant 0 : index
    %get3A_6 = arith.constant 0 : index
    %get3A_7 = vector.load %arg6[%get3A_4, %get3A_5, %get3A_6] : memref<1x768x2048xf32, #tpu.memory_space<vmem>>, vector<1x768x2048xf32>
    %get3A_8 = vector.shape_cast %get3A_7 : vector<1x768x2048xf32> to vector<768x2048xf32>
    %dot_general3A = arith.constant dense<0.000000e+00> : vector<256x2048xf32>
    %dot_general3A_9 = tpu.matmul %get3A_3, %get3A_8, %dot_general3A {dimension_numbers = #tpu.dot_dimension_numbers<[1], [0], [0], [1], [0, 0, 1, 1], [], []>, transpose_lhs_hint = false} : vector<256x768xf32>, vector<768x2048xf32>, vector<256x2048xf32> -> vector<256x2048xf32>
    %get3A_10 = arith.constant 0 : index
    %get3A_11 = arith.constant 0 : index
    %get3A_12 = arith.constant 0 : index
    %get3A_13 = vector.load %arg7[%get3A_10, %get3A_11, %get3A_12] : memref<1x1x2048xf32, #tpu.memory_space<vmem>>, vector<1x1x2048xf32>
    %get3A_14 = vector.shape_cast %get3A_13 : vector<1x1x2048xf32> to vector<1x2048xf32>
    %add3A = vector.broadcast %get3A_14 : vector<1x2048xf32> to vector<256x2048xf32>
    %add3A_15 = arith.addf %dot_general3A_9, %add3A : vector<256x2048xf32>
    %mul3A = arith.constant 5.000000e-01 : f32
    %mul3A_16 = vector.broadcast %mul3A : f32 to vector<256x2048xf32>
    %mul3A_17 = arith.mulf %mul3A_16, %add3A_15 : vector<256x2048xf32>
    %mul3A_18 = arith.constant 0.707106769 : f32
    %mul3A_19 = vector.broadcast %mul3A_18 : f32 to vector<256x2048xf32>
    %mul3A_20 = arith.mulf %add3A_15, %mul3A_19 : vector<256x2048xf32>
    %erf3A = math.erf %mul3A_20 : vector<256x2048xf32>
    %add3A_21 = arith.constant 1.000000e+00 : f32
    %add3A_22 = vector.broadcast %add3A_21 : f32 to vector<256x2048xf32>
    %add3A_23 = arith.addf %add3A_22, %erf3A : vector<256x2048xf32>
    %mul3A_24 = arith.mulf %mul3A_17, %add3A_23 : vector<256x2048xf32>
    %get3A_25 = arith.constant 0 : index
    %get3A_26 = arith.constant 0 : index
    %get3A_27 = arith.constant 0 : index
    %get3A_28 = vector.load %arg8[%get3A_25, %get3A_26, %get3A_27] : memref<1x2048x768xf32, #tpu.memory_space<vmem>>, vector<1x2048x768xf32>
    %get3A_29 = vector.shape_cast %get3A_28 : vector<1x2048x768xf32> to vector<2048x768xf32>
    %dot_general3A_30 = arith.constant dense<0.000000e+00> : vector<256x768xf32>
    %dot_general3A_31 = tpu.matmul %mul3A_24, %get3A_29, %dot_general3A_30 {dimension_numbers = #tpu.dot_dimension_numbers<[1], [0], [0], [1], [0, 0, 1, 1], [], []>, transpose_lhs_hint = false} : vector<256x2048xf32>, vector<2048x768xf32>, vector<256x768xf32> -> vector<256x768xf32>
    %get3A_32 = arith.constant 0 : index
    %get3A_33 = arith.constant 0 : index
    %get3A_34 = arith.constant 0 : index
    %get3A_35 = vector.load %arg9[%get3A_32, %get3A_33, %get3A_34] : memref<1x1x768xf32, #tpu.memory_space<vmem>>, vector<1x1x768xf32>
    %get3A_36 = vector.shape_cast %get3A_35 : vector<1x1x768xf32> to vector<1x768xf32>
    %add3A_37 = vector.broadcast %get3A_36 : vector<1x768xf32> to vector<256x768xf32>
    %add3A_38 = arith.addf %dot_general3A_31, %add3A_37 : vector<256x768xf32>
    %iota3A = tpu.iota {dimensions = array<i32: 0>} : vector<256x1xi32>
    %mul3A_39 = arith.constant 256 : i32
    %mul3A_40 = arith.muli %arg0, %mul3A_39 : i32
    %add3A_41 = vector.broadcast %mul3A_40 : i32 to vector<256x1xi32>
    %add3A_42 = arith.addi %iota3A, %add3A_41 : vector<256x1xi32>
    %get3A_43 = arith.index_cast %get3A_0 : i32 to index
    %get3A_44 = memref.load %arg3[%get3A_43] : memref<8xi32, #tpu.memory_space<smem>>
    %sub3A = vector.broadcast %get3A_44 : i32 to vector<256x1xi32>
    %sub3A_45 = arith.subi %add3A_42, %sub3A : vector<256x1xi32>
    %get3A_46 = arith.index_cast %get3A_0 : i32 to index
    %get3A_47 = memref.load %arg2[%get3A_46] : memref<8xi32, #tpu.memory_space<smem>>
    %lt3A = vector.broadcast %get3A_47 : i32 to vector<256x1xi32>
    %lt3A_48 = arith.cmpi slt, %sub3A_45, %lt3A : vector<256x1xi32>
    %get3A_49 = arith.constant 0 : index
    %get3A_50 = arith.constant 0 : index
    %get3A_51 = vector.load %arg5[%get3A_49, %get3A_50] : memref<256x128xf32, #tpu.memory_space<vmem>>, vector<256x1xf32>
    %jit3A = arith.constant 0.000000e+00 : f32
    %broadcast_in_dim3A = vector.broadcast %jit3A : f32 to vector<256x1xf32>
    %select_n3A = arith.select %lt3A_48, %get3A_51, %broadcast_in_dim3A : vector<256x1xi1>, vector<256x1xf32>
    %get3A_52 = arith.constant 0 : index
    %get3A_53 = arith.constant 1 : index
    %get3A_54 = vector.load %arg5[%get3A_52, %get3A_53] : memref<256x128xf32, #tpu.memory_space<vmem>>, vector<256x1xf32>
    %jit3A_55 = arith.constant 0.000000e+00 : f32
    %broadcast_in_dim3A_56 = vector.broadcast %jit3A_55 : f32 to vector<256x1xf32>
    %select_n3A_57 = arith.select %lt3A_48, %get3A_54, %broadcast_in_dim3A_56 : vector<256x1xi1>, vector<256x1xf32>
    %jit3A_58 = arith.constant 0.000000e+00 : f32
    %broadcast_in_dim3A_59 = vector.shape_cast %lt3A_48 : vector<256x1xi1> to vector<256x1xi1>
    %broadcast_in_dim3A_60 = vector.broadcast %broadcast_in_dim3A_59 : vector<256x1xi1> to vector<256x768xi1>
    %broadcast_in_dim3A_61 = vector.broadcast %jit3A_58 : f32 to vector<256x768xf32>
    %select_n3A_62 = arith.select %broadcast_in_dim3A_60, %add3A_38, %broadcast_in_dim3A_61 : vector<256x768xi1>, vector<256x768xf32>
    %mul3A_63 = arith.mulf %select_n3A, %select_n3A_57 : vector<256x1xf32>
    %sub3A_64 = arith.subf %select_n3A, %mul3A_63 : vector<256x1xf32>
    %mul3A_65 = arith.mulf %select_n3A, %select_n3A_57 : vector<256x1xf32>
    %concatenate3A = tpu.concatenate %sub3A_64, %mul3A_65 in 1 : vector<256x1xf32>, vector<256x1xf32> -> vector<256x2xf32>
    %dot_general3A_66 = arith.constant dense<0.000000e+00> : vector<2x768xf32>
    %dot_general3A_67 = tpu.matmul %concatenate3A, %select_n3A_62, %dot_general3A_66 {dimension_numbers = #tpu.dot_dimension_numbers<[0], [0], [1], [1], [0, 1, 1, 1], [], []>, transpose_lhs_hint = false} : vector<256x2xf32>, vector<256x768xf32>, vector<2x768xf32> -> vector<2x768xf32>
    %eq3A = arith.constant 0 : i32
    %eq3A_68 = arith.cmpi eq, %arg0, %eq3A : i32
    %convert_element_type3A = arith.extui %eq3A_68 : i1 to i32
    %cond3A = arith.constant 0 : i32
    %cond3A_69 = arith.cmpi ne, %convert_element_type3A, %cond3A : i32
    scf.if %cond3A_69 {
      %swap3A = arith.constant 0 : index
      %swap3A_79 = arith.constant 0 : index
      %swap3A_80 = vector.load %arg14[%swap3A, %swap3A_79] : memref<2x768xf32, #tpu.memory_space<vmem>>, vector<2x768xf32>
      tpu.vector_store %arg14[%swap3A, %swap3A_79], %dot_general3A_67 {strides = array<i32>} : memref<2x768xf32, #tpu.memory_space<vmem>>, vector<2x768xf32>,
    } else {
    }
    %gt3A = arith.constant 0 : i32
    %gt3A_70 = arith.cmpi sgt, %arg0, %gt3A : i32
    %convert_element_type3A_71 = arith.extui %gt3A_70 : i1 to i32
    %cond3A_72 = arith.constant 0 : i32
    %cond3A_73 = arith.cmpi ne, %convert_element_type3A_71, %cond3A_72 : i32
    scf.if %cond3A_73 {
      %get3A_79 = arith.constant 0 : index
      %get3A_80 = arith.constant 0 : index
      %get3A_81 = vector.load %arg14[%get3A_79, %get3A_80] : memref<2x768xf32, #tpu.memory_space<vmem>>, vector<2x768xf32>
      %add3A_82 = arith.addf %get3A_81, %dot_general3A_67 : vector<2x768xf32>
      %swap3A = arith.constant 0 : index
      %swap3A_83 = arith.constant 0 : index
      %swap3A_84 = vector.load %arg14[%swap3A, %swap3A_83] : memref<2x768xf32, #tpu.memory_space<vmem>>, vector<2x768xf32>
      tpu.vector_store %arg14[%swap3A, %swap3A_83], %add3A_82 {strides = array<i32>} : memref<2x768xf32, #tpu.memory_space<vmem>>, vector<2x768xf32>,
    } else {
    }
    %eq3A_74 = arith.constant 39 : i32
    %eq3A_75 = arith.cmpi eq, %arg0, %eq3A_74 : i32
    %convert_element_type3A_76 = arith.extui %eq3A_75 : i1 to i32
    %cond3A_77 = arith.constant 0 : i32
    %cond3A_78 = arith.cmpi ne, %convert_element_type3A_76, %cond3A_77 : i32
    scf.if %cond3A_78 {
      %get3A_79 = arith.constant 0 : index
      %get3A_80 = arith.constant 0 : index
      %get3A_81 = vector.load %arg10[%get3A_79, %get3A_80] : memref<2x768xf32, #tpu.memory_space<vmem>>, vector<2x768xf32>
      %get3A_82 = arith.constant 0 : index
      %get3A_83 = arith.constant 0 : index
      %get3A_84 = vector.load %arg14[%get3A_82, %get3A_83] : memref<2x768xf32, #tpu.memory_space<vmem>>, vector<2x768xf32>
      %add3A_85 = arith.addf %get3A_81, %get3A_84 : vector<2x768xf32>
      %mul3A_86 = arith.constant 4.8828125E-4 : f32
      %mul3A_87 = vector.broadcast %mul3A_86 : f32 to vector<2x768xf32>
      %mul3A_88 = arith.mulf %add3A_85, %mul3A_87 : vector<2x768xf32>
      %get3A_89 = arith.constant 0 : index
      %get3A_90 = arith.constant 0 : index
      %get3A_91 = vector.load %arg11[%get3A_89, %get3A_90] : memref<768x768xf32, #tpu.memory_space<vmem>>, vector<768x768xf32>
      %dot_general3A_92 = arith.constant dense<0.000000e+00> : vector<2x768xf32>
      %dot_general3A_93 = tpu.matmul %mul3A_88, %get3A_91, %dot_general3A_92 {dimension_numbers = #tpu.dot_dimension_numbers<[1], [0], [0], [1], [0, 0, 1, 1], [], []>, transpose_lhs_hint = false} : vector<2x768xf32>, vector<768x768xf32>, vector<2x768xf32> -> vector<2x768xf32>
      %get3A_94 = arith.constant 0 : index
      %get3A_95 = arith.constant 0 : index
      %get3A_96 = vector.load %arg12[%get3A_94, %get3A_95] : memref<1x768xf32, #tpu.memory_space<vmem>>, vector<1x768xf32>
      %add3A_97 = vector.broadcast %get3A_96 : vector<1x768xf32> to vector<2x768xf32>
      %add3A_98 = arith.addf %dot_general3A_93, %add3A_97 : vector<2x768xf32>
      %swap3A = arith.constant 0 : index
      %swap3A_99 = arith.constant 0 : index
      %swap3A_100 = vector.load %arg13[%swap3A, %swap3A_99] : memref<2x768xf32, #tpu.memory_space<vmem>>, vector<2x768xf32>
      tpu.vector_store %arg13[%swap3A, %swap3A_99], %add3A_98 {strides = array<i32>} : memref<2x768xf32, #tpu.memory_space<vmem>>, vector<2x768xf32>,
    } else {
    }
    return
  }
  func.func @transform_0(%arg0: i32, %arg1: memref<40xi32, #tpu.memory_space<smem>>, %arg2: memref<8xi32, #tpu.memory_space<smem>>, %arg3: memref<8xi32, #tpu.memory_space<smem>>) -> (i32, i32) {
    %c0_i32 = arith.constant 0 : i32
    %c0_i32_0 = arith.constant 0 : i32
    return %arg0, %c0_i32 : i32, i32
  }
  func.func @transform_1(%arg0: i32, %arg1: memref<40xi32, #tpu.memory_space<smem>>, %arg2: memref<8xi32, #tpu.memory_space<smem>>, %arg3: memref<8xi32, #tpu.memory_space<smem>>) -> (i32, i32) {
    %c0_i32 = arith.constant 0 : i32
    %c0_i32_0 = arith.constant 0 : i32
    return %arg0, %c0_i32 : i32, i32
  }
  func.func @transform_2(%arg0: i32, %arg1: memref<40xi32, #tpu.memory_space<smem>>, %arg2: memref<8xi32, #tpu.memory_space<smem>>, %arg3: memref<8xi32, #tpu.memory_space<smem>>) -> (i32, i32, i32) {
    %get3A = arith.index_cast %arg0 : i32 to index
    %get3A_0 = memref.load %arg1[%get3A] : memref<40xi32, #tpu.memory_space<smem>>
    %c0_i32 = arith.constant 0 : i32
    %c0_i32_1 = arith.constant 0 : i32
    %c0_i32_2 = arith.constant 0 : i32
    return %get3A_0, %c0_i32, %c0_i32_1 : i32, i32, i32
  }
  func.func @transform_3(%arg0: i32, %arg1: memref<40xi32, #tpu.memory_space<smem>>, %arg2: memref<8xi32, #tpu.memory_space<smem>>, %arg3: memref<8xi32, #tpu.memory_space<smem>>) -> (i32, i32, i32) {
    %get3A = arith.index_cast %arg0 : i32 to index
    %get3A_0 = memref.load %arg1[%get3A] : memref<40xi32, #tpu.memory_space<smem>>
    %c0_i32 = arith.constant 0 : i32
    %c0_i32_1 = arith.constant 0 : i32
    %c0_i32_2 = arith.constant 0 : i32
    return %get3A_0, %c0_i32, %c0_i32_1 : i32, i32, i32
  }
  func.func @transform_4(%arg0: i32, %arg1: memref<40xi32, #tpu.memory_space<smem>>, %arg2: memref<8xi32, #tpu.memory_space<smem>>, %arg3: memref<8xi32, #tpu.memory_space<smem>>) -> (i32, i32, i32) {
    %get3A = arith.index_cast %arg0 : i32 to index
    %get3A_0 = memref.load %arg1[%get3A] : memref<40xi32, #tpu.memory_space<smem>>
    %c0_i32 = arith.constant 0 : i32
    %c0_i32_1 = arith.constant 0 : i32
    %c0_i32_2 = arith.constant 0 : i32
    return %get3A_0, %c0_i32, %c0_i32_1 : i32, i32, i32
  }
  func.func @transform_5(%arg0: i32, %arg1: memref<40xi32, #tpu.memory_space<smem>>, %arg2: memref<8xi32, #tpu.memory_space<smem>>, %arg3: memref<8xi32, #tpu.memory_space<smem>>) -> (i32, i32, i32) {
    %get3A = arith.index_cast %arg0 : i32 to index
    %get3A_0 = memref.load %arg1[%get3A] : memref<40xi32, #tpu.memory_space<smem>>
    %c0_i32 = arith.constant 0 : i32
    %c0_i32_1 = arith.constant 0 : i32
    %c0_i32_2 = arith.constant 0 : i32
    return %get3A_0, %c0_i32, %c0_i32_1 : i32, i32, i32
  }
  func.func @transform_6(%arg0: i32, %arg1: memref<40xi32, #tpu.memory_space<smem>>, %arg2: memref<8xi32, #tpu.memory_space<smem>>, %arg3: memref<8xi32, #tpu.memory_space<smem>>) -> (i32, i32) {
    %c0_i32 = arith.constant 0 : i32
    %c0_i32_0 = arith.constant 0 : i32
    %c0_i32_1 = arith.constant 0 : i32
    return %c0_i32, %c0_i32_0 : i32, i32
  }
  func.func @transform_7(%arg0: i32, %arg1: memref<40xi32, #tpu.memory_space<smem>>, %arg2: memref<8xi32, #tpu.memory_space<smem>>, %arg3: memref<8xi32, #tpu.memory_space<smem>>) -> (i32, i32) {
    %c0_i32 = arith.constant 0 : i32
    %c0_i32_0 = arith.constant 0 : i32
    %c0_i32_1 = arith.constant 0 : i32
    return %c0_i32, %c0_i32_0 : i32, i32
  }
  func.func @transform_8(%arg0: i32, %arg1: memref<40xi32, #tpu.memory_space<smem>>, %arg2: memref<8xi32, #tpu.memory_space<smem>>, %arg3: memref<8xi32, #tpu.memory_space<smem>>) -> (i32, i32) {
    %c0_i32 = arith.constant 0 : i32
    %c0_i32_0 = arith.constant 0 : i32
    %c0_i32_1 = arith.constant 0 : i32
    return %c0_i32, %c0_i32_0 : i32, i32
  }
  func.func @transform_9(%arg0: i32, %arg1: memref<40xi32, #tpu.memory_space<smem>>, %arg2: memref<8xi32, #tpu.memory_space<smem>>, %arg3: memref<8xi32, #tpu.memory_space<smem>>) -> (i32, i32) {
    %c0_i32 = arith.constant 0 : i32
    %c0_i32_0 = arith.constant 0 : i32
    %c0_i32_1 = arith.constant 0 : i32
    return %c0_i32, %c0_i32_0 : i32, i32
  }
}

</mosaic_0001>

<sc_bundles>
// kernel: kernel.7.cloned.1.call-start
scs
__scs_entry_jumppad:
0x0: {  	(pc) =	sbr.rel $0x88, $3  }
0x1: {  	(tag) =	ssettag $0x0;
	lr =	simm.s32 $0x1  }
0x2: {  	[smem:$0x3F90] =	sst lr;
	_ =	strace $0xD0000000  }
0x3: {  	_ = 	snop  }
0x4: {  	_ = 	snop  }
0x5: {  	_ = 	snop  }
0x6: {  	_ = 	snop  }
0x7: {  	_ = 	snop  }
__scs_overlays_trampoline_lowered:
0x8: {  	[smem:$0x3F9F] =	sst s0  }
0x9: {  	[smem:$0x3FA0] =	sst s1  }
0xa: {  	[smem:$0x3FA1] =	sst s2  }
0xb: {  	[smem:$0x3FA2] =	sst s3  }
0xc: {  	[smem:$0x3FA3] =	sst s4  }
0xd: {  	[smem:$0x3FA4] =	sst s5  }
0xe: {  	[smem:$0x3FA5] =	sst s6  }
0xf: {  	[smem:$0x3FA6] =	sst s7  }
0x10: {  	[smem:$0x3FA7] =	sst s8  }
0x11: {  	[smem:$0x3FA8] =	sst s9;
	s0 =	simm.s32 @!p0 $0x0  }
0x12: {  	s1 =	sld [smem:$0x3F8E];
	s0 =	simm.s32 @p0 $0x1  }
0x13: {  	[smem:$0x3FA9] =	sst s0;
	s0 =	simm.s32 @!p1 $0x0  }
0x14: {  	s2 =	sld [smem:$0x3F8D];
	s0 =	simm.s32 @p1 $0x1  }
0x15: {  	[smem:$0x3FAA] =	sst s0;
	s0 =	simm.s32 @!p2 $0x0  }
0x16: {  	s3 =	sld [smem:$0x3FDB];
	s0 =	simm.s32 @p2 $0x1  }
0x17: {  	s4 =	simm.s32 $0x1BF5;
	[smem:$0x3FAC] =	sst s0  }
0x18: {  	s0 =	sld [smem:$0x3F8F];
	_ =	swait.ge [sflag:s4], $0x0  }
0x19: {  	s7 =	sld [smem:$0x3F90]  }
0x1a: {  	s8 =	sadd.s32 $0xFFFFE003, lr  }
0x1b: {  	s9 =	sadd.s32 $0xFFFFFEF7, lr;
	s5 =	simm.s32 $0xFFFFFFFF;
	p2 =	slt.u32 s8, $0xFFFFF086  }
0x1c: {  	p1 =	slt.u32 s9, $0xF7A;
	s5 =	simm.s32 @!p2 $0x0  }
0x1d: {  	s5 =	simm.s32 @p1 $0x1;
	p0 =	seq.s32 s7, s2  }
0x1e: {  	s7 =	smul.u32 @!p0 $0xF7A, s2;
	p2 =	seq.s32 @!p0 s5, $0x0  }
0x1f: {  	s9 =	smul.u32 $0xF7A, s1;
	s8 =	simm.s32 @!p0 $0x1BF5;
	p2 =	por !p2, p0  }
0x20: {  	[sflag:s8] =	ssyncset.s32 @!p0 $0xFFFFF086;
	s6 =	sadd.s32 @!p0 s3, s7;
	s7 =	simm.s32 @!p0 $0x108  }
0x21: {  	s3 =	sadd.s32 s3, s9;
	s6 =	sadd.s32 @!p0 $0x88, s6;
	s7 =	simm.s32 @p2 $0x1082  }
0x22: {  	[simem:s7], [sflag:s8] =	dma.local @!p0 [hbm:s6], $0xF7A  }
0x23: {  	s9 =	sor.u32 $0xD0000000, s2;
	s6 =	simm.s32 $0x108;
	_ =	swait.ge @!p0 [sflag:s8], $0x0  }
0x24: {  	s3 =	sadd.s32 $0x88, s3;
	s6 =	simm.s32 @!p1 $0x1082;
	[sflag:s4] =	ssyncset.s32 $0xFFFFF086  }
0x25: {  	[simem:s6], [sflag:s4] =	dma.local [hbm:s3], $0xF7A  }
0x26: {  	[smem:$0x3F90] =	sst s1;
	(tag) =	ssettag s2;
	_ =	strace s9  }
0x27: {  	s1 =	sld [smem:$0x3FA0]  }
0x28: {  	s2 =	sld [smem:$0x3FA1]  }
0x29: {  	s4 =	sld [smem:$0x3FA3]  }
0x2a: {  	p0 =	seq.s32 s5, $0x0;
	s5 =	sld [smem:$0x3FA4]  }
0x2b: {  	s6 =	sld [smem:$0x3FA5]  }
0x2c: {  	s7 =	sld [smem:$0x3FA6]  }
0x2d: {  	s3 =	simm.s32 $0x108;
	s8 =	sld [smem:$0x3FA7]  }
0x2e: {  	s3 =	simm.s32 @!p0 $0x1082;
	s9 =	sld [smem:$0x3FA8]  }
0x2f: {  	lr =	sadd.s32 s0, s3;
	s0 =	sld [smem:$0x3F9F]  }
0x30: {  	s3 =	sld [smem:$0x3FA2]  }
0x31: {  	[smem:$0x3FAB] =	sst s10  }
0x32: {  	s10 =	sld [smem:$0x3FA9];
	_ =	sdelay $0x3  }
0x33: {  	p0 =	seq.s32 s10, $0x1;
	s10 =	sld [smem:$0x3FAB];
	_ =	sdelay $0x3  }
0x34: {  	[smem:$0x3FAB] =	sst s10  }
0x35: {  	s10 =	sld [smem:$0x3FAA];
	_ =	sdelay $0x3  }
0x36: {  	p1 =	seq.s32 s10, $0x1;
	s10 =	sld [smem:$0x3FAB];
	_ =	sdelay $0x3  }
0x37: {  	[smem:$0x3FAB] =	sst s10  }
0x38: {  	s10 =	sld [smem:$0x3FAC]  }
0x39: {  	_ = 	snop;
	(pc) =	sbr.ind lr, $3  }
0x3a: {  	_ = 	snop  }
0x3b: {  	_ = 	snop  }
0x3c: {  	p2 =	seq.s32 s10, $0x1;
	s10 =	sld [smem:$0x3FAB]  }
0x3d: {  	_ =	shalt  }
0x3e: {  	_ =	shalt  }
0x3f: {  	_ =	shalt  }
0x40: {  	_ =	shalt  }
0x41: {  	_ =	shalt  }
0x42: {  	_ =	shalt  }
0x43: {  	_ =	shalt  }
0x44: {  	_ =	shalt  }
0x45: {  	_ =	shalt  }
0x46: {  	_ =	shalt  }
0x47: {  	_ =	shalt  }
0x48: {  	_ =	shalt  }
0x49: {  	_ =	shalt  }
0x4a: {  	_ =	shalt  }
0x4b: {  	_ =	shalt  }
0x4c: {  	_ =	shalt  }
0x4d: {  	_ =	shalt  }
0x4e: {  	_ =	shalt  }
0x4f: {  	_ =	shalt  }
0x50: {  	_ =	shalt  }
0x51: {  	_ =	shalt  }
0x52: {  	_ =	shalt  }
0x53: {  	_ =	shalt  }
0x54: {  	_ =	shalt  }
0x55: {  	_ =	shalt  }
0x56: {  	_ =	shalt  }
0x57: {  	_ =	shalt  }
0x58: {  	_ =	shalt  }
0x59: {  	_ =	shalt  }
0x5a: {  	_ =	shalt  }
0x5b: {  	_ =	shalt  }
0x5c: {  	_ =	shalt  }
0x5d: {  	_ =	shalt  }
0x5e: {  	_ =	shalt  }
0x5f: {  	_ =	shalt  }
0x60: {  	_ =	shalt  }
0x61: {  	_ =	shalt  }
0x62: {  	_ =	shalt  }
0x63: {  	_ =	shalt  }
0x64: {  	_ =	shalt  }
0x65: {  	_ =	shalt  }
0x66: {  	_ =	shalt  }
0x67: {  	_ =	shalt  }
0x68: {  	_ =	shalt  }
0x69: {  	_ =	shalt  }
0x6a: {  	_ =	shalt  }
0x6b: {  	_ =	shalt  }
0x6c: {  	_ =	shalt  }
0x6d: {  	_ =	shalt  }
0x6e: {  	_ =	shalt  }
0x6f: {  	_ =	shalt  }
0x70: {  	_ =	shalt  }
0x71: {  	_ =	shalt  }
0x72: {  	_ =	shalt  }
0x73: {  	_ =	shalt  }
0x74: {  	_ =	shalt  }
0x75: {  	_ =	shalt  }
0x76: {  	_ =	shalt  }
0x77: {  	_ =	shalt  }
0x78: {  	_ =	shalt  }
0x79: {  	_ =	shalt  }
0x7a: {  	_ =	shalt  }
0x7b: {  	_ =	shalt  }
0x7c: {  	_ =	shalt  }
0x7d: {  	_ =	shalt  }
0x7e: {  	_ =	shalt  }
0x7f: {  	_ =	shalt  }
0x80: {  	_ =	shalt  }
0x81: {  	_ =	shalt  }
0x82: {  	_ =	shalt  }
0x83: {  	_ =	shalt  }
0x84: {  	_ =	shalt  }
0x85: {  	_ =	shalt  }
0x86: {  	_ =	shalt  }
0x87: {  	_ =	shalt  }
.Lfunc_end0:
.L_simem_size_0:
called_computation_lowered:
.L_overlay_start_0:
0x88: {  	s2 =	sld [smem:$0x3FD9]  }
0x89: {  	s3 =	sld [smem:$0x3FFE];
	_ =	sdelay $0x1  }
0x8a: {  	s1 =	srdreg.scid  }
0x8b: {  	s0 =	sand.u32 $0x1, s1  }
0x8c: {  	s16 =	sshll.u32 s0, $0xA;
	s2 =	sadd.s32 s3, s2  }
0x8d: {  	s2 =	sadd.s32 s2, s16  }
0x8e: {  	[smem:$0x3FB7] =	sst s2  }
0x8f: {  	_ = 	snop  }
0x90: {  	(tm) =	ssettm $0x1  }
0x91: {  	s17 =	sld [smem:$0x3FFB];
	_ =	sdelay $0x3  }
0x92: {  	_ =	strace s17  }
0x93: {  	s2 =	sld [smem:$0x3FFC];
	_ =	sdelay $0x3  }
0x94: {  	_ =	strace s2  }
0x95: {  	s2 =	sld [smem:$0x3FFD];
	_ =	sdelay $0x3  }
0x96: {  	_ =	strace s2  }
0x97: {  	_ =	strace $0x8FFFFFFF  }
0x98: {  	s18 =	sld [smem:$0x3FDB];
	_ =	sdelay $0x1  }
0x99: {  	s19 =	simm.s32 $_scs_section_size  }
0x9a: {  	s4 =	simm.s32 $_size__tile_overlayer_lowered;
	s5 =	simm.s32 $_tile_overlayer_lowered  }
0x9b: {  	s22 =	simm.s32 $0x1BFF;
	s21 =	sshll.u32 s5, $0x1;
	s2 =	sadd.s32 s19, s18  }
0x9c: {  	s6 =	simm.s32 $0x0;
	s20 =	sshll.u32 s4, $0x1;
	s4 =	sadd.s32 s21, s2  }
0x9d: {  	[timem:s6], [sflag:s22] =	dma.local [hbm:s4], s20  }
0x9e: {  	_ =	swait.ge [sflag:s22], s20  }
0x9f: {  	s3 =	ssub.s32 $0x0, s20;
	[sflag:s22] =	ssyncset.done $0x0  }
0xa0: {  	[sflag:s22] =	ssyncadd.s32 s3;
	_ =	sdelay $0x1  }
0xa1: {  	s23 =	simm.s32 $0x1B8B  }
0xa2: {  	_ =	swait.ge [sflag:s23], $0x1  }
0xa3: {  	[sflag:s23] =	ssyncset.done $0x0  }
0xa4: {  	s25 =	simm.s32 $0x1B8E;
	s24 =	sld [smem:$0x3FFE];
	[sflag:s23] =	ssyncadd.s32 $0xFFFFFFFF  }
0xa5: {  	s26 =	simm.s32 $execute0_lowered;
	[smem:$0x3FD2] =	sst s25  }
0xa6: {  	s4 =	sshll.u32 s26, $0x1;
	_ =	strace $0x80000046;
	[dreg:$0x1] =	wrdreg $0xFFFFFFFF  }
0xa7: {  	s28 =	simm.s32 $_size_execute0_lowered;
	s2 =	sadd.s32 s2, s4;
	[dreg:$0x0] =	wrdreg $0x0  }
0xa8: {  	s4 =	sshll.u32 s28, $0x1;
	[dreg:$0x2] =	wrdreg s2  }
0xa9: {  	[dreg:$0x3] =	wrdreg s4  }
0xaa: {  	[dreg:$0x4] =	wrdreg $0xC0  }
0xab: {  	_ =	task [dreg:s6], $0x5FFFF  }
0xac: {  	[dreg:$0x1] =	wrdreg $0xFFFFFFFF  }
0xad: {  	[dreg:$0x0] =	wrdreg $0x60  }
0xae: {  	[dreg:$0x2] =	wrdreg s24  }
0xaf: {  	[dreg:$0x3] =	wrdreg $0x9  }
0xb0: {  	_ =	task.clear_ibuf [dreg:s6], $0x4FFFF;
	_ =	strace $0x90000046  }
0xb1: {  	s29 =	simm.s32 $0x9;
	_ =	strace $0x80000048  }
0xb2: {  	_ =	swait.ge [sflag:s29], $0x1  }
0xb3: {  	[sflag:s29] =	ssyncadd.s32 $0xFFFFFFFF  }
0xb4: {  	_ =	strace $0x90000048  }
0xb5: {  	_ =	sfence  }
0xb6: {  	s30 =	sld [smem:$0x0];
	_ =	sdelay $0x2  }
0xb7: {  	s31 =	sshll.u32 s1, $0xD;
	s1 =	sshrl.u32 s1, $0x2  }
0xb8: {  	s3 =	sand.u32 $0x4000, s31;
	s1 =	sadd.s32 s1, s30  }
0xb9: {  	s0 =	sor.u32 s3, s0;
	s1 =	sshll.u32 s1, $0x11  }
0xba: {  	s0 =	sor.u32 s1, s0  }
0xbb: {  	s0 =	sadd.s32 $0x8F2B, s0  }
0xbc: {  	[sflag:s0] =	ssyncadd.remote.s32 $0x1  }
0xbd: {  	_ =	sfence.sel $0xFFFF  }
0xbe: {  	[dreg:$0x0] =	wrdreg $0xFFFFFFFF;
	(pc) =	sbr.abs _section_cstart, $3  }
0xbf: {  	[dreg:$0x1] =	wrdreg $0xFFFFFFFF  }
0xc0: {  	_ =	task.clear_ibuf [dreg:s6], $0x2FFFF;
	_ =	strace $0x9FFFFFFF  }
0xc1: {  	(tm) =	ssettm $0x7FFFFFFF  }
tec
execute0_lowered:
.L_overlay_start_1:
0x0: {  	(tag) =	ssettag $0x1  }
0x1: {  	s0 =	rddreg [dreg:$0x0]  }
0x2: {  	s1 =	simm.s32 $0x0;
	s2 =	srdreg.scid;
	s4 =	stileid.u32  }
0x3: {  	[smem:$0x7FF] =	sst s1;
	s3 =	sadd.s32 $0x2800, s0;
	s2 =	sand.u32 $0x1, s2  }
0x4: {  	s5 =	sadd.s32 $0x62800, s0;
	s4 =	sshll.u32 s4, $0x9;
	s8 =	sadd.s32 $0x2400, s0  }
0x5: {  	s9 =	sadd.s32 $0x62C00, s0;
	s10 =	sadd.s32 $0x82C00, s0;
	_ =	strace $0x80000047  }
0x6: {  	s6 =	sshll.u32 s2, $0x8;
	s2 =	ssub.s32 $0x2, s2;
	[dreg:$0x8] =	wrdreg s10  }
0x7: {  	s6 =	sor.u32 s6, s4;
	s4 =	sadd.s32 $0xAAC00, s0;
	s23 =	sshrl.u32 s2, $0x1  }
0x8: {  	s7 =	sshrl.u32 s6, $0x3;
	s24 =	sshll.u32 s6, $0x4;
	s26 =	sor.u32 $0x80, s6  }
0x9: {  	s2 =	ssub.s32 s2, s23;
	s6 =	sadd.s32 $0x2900, s0;
	s11 =	sadd.s32 s5, s7  }
0xa: {  	s7 =	sadd.s32 s8, s7;
	s25 =	sadd.s32 s9, s24;
	[dreg:$0x2] =	wrdreg s11  }
0xb: {  	s28 =	sshrl.u32 s26, $0x3;
	s30 =	sshll.u32 s26, $0x4;
	[dreg:$0x3] =	wrdreg s7  }
0xc: {  	s13 =	smax.u32 s2, $0x1;
	[dreg:$0x4] =	wrdreg s25;
	s5 =	sadd.s32 s5, s28  }
0xd: {  	v2 =	vlaneseq.u32;
	s7 =	sadd.s32 $0x2A00, s0;
	s29 =	sadd.s32 s8, s28;
	[dreg:$0x5] =	wrdreg s5  }
0xe: {  	vm0 =	vmmov $0xffff;
	v1 =	vshrl.u32 v2, $0x3;
	s8 =	sadd.s32 $0xAAD00, s0;
	s31 =	sadd.s32 s9, s30;
	[dreg:$0x6] =	wrdreg s29  }
0xf: {  	v0 =	vand.u32 $0x7, v2;
	v2 =	vor.u32 $0x8, v2;
	v1 =	vmul.u32 $0x8, v1;
	s9 =	sadd.s32 $0xAAE00, s0;
	s11 =	simm.s32 $0x4;
	[dreg:$0x7] =	wrdreg s31  }
.LBB2_1:
0x10: {  	s21 =	rddreg [dreg:$0x2]  }
0x11: {  	[tilespmem:s1], [sflag:$0x4] =	stream.linear.gather [hbm4b:s21+s1], $0x80, $0x38;
	[tilespmem:$0x1C100] =	vst v63  }
0x12: {  	_ =	swait.ge [sflag:s11], $0x80  }
0x13: {  	[sflag:s11] =	ssyncset.done $0x0  }
0x14: {  	s0 =	simm.s32 $0x80;
	s5 =	rddreg [dreg:$0x3];
	[sflag:s11] =	ssyncadd.s32 $0xFFFFFF80  }
0x15: {  	[tilespmem:s0], [sflag:$0x4] =	stream.linear.gather [hbm4b:s5+s1], $0x80, $0x38;
	[tilespmem:$0x1C100] =	vst v63  }
0x16: {  	_ =	swait.ge [sflag:s11], $0x80  }
0x17: {  	[sflag:s11] =	ssyncset.done $0x0  }
0x18: {  	s12 =	simm.s32 $0x18100;
	s10 =	rddreg [dreg:$0x4];
	[sflag:s11] =	ssyncadd.s32 $0xFFFFFF80  }
0x19: {  	[tilespmem:s12], [sflag:$0x4] =	stream.linear.gather [hbm4b:s10+s1], $0x4000, $0x38;
	[tilespmem:$0x1C100] =	vst v63  }
0x1a: {  	_ =	swait.ge [sflag:s11], $0x4000  }
0x1b: {  	[sflag:s11] =	ssyncset.done $0x0  }
0x1c: {  	[sflag:s11] =	ssyncadd.s32 $0xFFFFC000  }
0x1d: {  	v3 =	vld [tilespmem:$0x80];
	_ =	sdelay $0x4  }
0x1e: {  	v4 =	vshrl.u32 v3, $0x3  }
0x1f: {  	v4 =	vmul.u32 $0x30, v4  }
0x20: {  	v3 =	vand.u32 $0x7, v3  }
0x21: {  	v3 =	vor.u32 v3, v4  }
0x22: {  	v4 =	vperm.xlane v3, v0;
	_ =	sdelay $0x1  }
0x23: {  	v4 =	vadd.s32 v1, v4;
	_ =	sdelay $0x3  }
0x24: {  	s14 =	simm.s32 $0x100;
	v3 =	vperm.xlane v3, v2  }
0x25: {  	[tilespmem:s14], [sflag:$0x1] =	stream.indirect_vreg.gather [hbm4b:s3+s1], $0x80, v4, vm0, $0xb8;
	[tilespmem:$0x1C100] =	vst v63  }
0x26: {  	s15 =	simm.s32 $0x900;
	v3 =	vadd.s32 v1, v3  }
0x27: {  	[tilespmem:s15], [sflag:$0x1] =	stream.indirect_vreg.gather [hbm4b:s6+s1], $0x80, v4, vm0, $0xb8;
	[tilespmem:$0x1C100] =	vst v63  }
0x28: {  	s16 =	simm.s32 $0x1100  }
0x29: {  	[tilespmem:s16], [sflag:$0x1] =	stream.indirect_vreg.gather [hbm4b:s7+s1], $0x80, v4, vm0, $0xb8;
	[tilespmem:$0x1C100] =	vst v63  }
0x2a: {  	s17 =	simm.s32 $0x1900  }
0x2b: {  	[tilespmem:s17], [sflag:$0x1] =	stream.indirect_vreg.gather [hbm4b:s3+s1], $0x80, v3, vm0, $0xb8;
	[tilespmem:$0x1C100] =	vst v63  }
0x2c: {  	s18 =	simm.s32 $0x2100  }
0x2d: {  	[tilespmem:s18], [sflag:$0x1] =	stream.indirect_vreg.gather [hbm4b:s6+s1], $0x80, v3, vm0, $0xb8;
	[tilespmem:$0x1C100] =	vst v63  }
0x2e: {  	s19 =	simm.s32 $0x2900  }
0x2f: {  	[tilespmem:s19], [sflag:$0x1] =	stream.indirect_vreg.gather [hbm4b:s7+s1], $0x80, v3, vm0, $0xb8;
	[tilespmem:$0x1C100] =	vst v63  }
0x30: {  	v3 =	vld [tilespmem:$0x90];
	_ =	sdelay $0x4  }
0x31: {  	v33 =	vshrl.u32 v3, $0x3  }
0x32: {  	v4 =	vmul.u32 $0x30, v33  }
0x33: {  	v3 =	vand.u32 $0x7, v3  }
0x34: {  	v3 =	vor.u32 v3, v4  }
0x35: {  	v4 =	vperm.xlane v3, v0;
	_ =	sdelay $0x1  }
0x36: {  	v4 =	vadd.s32 v1, v4;
	_ =	sdelay $0x3  }
0x37: {  	s20 =	simm.s32 $0x3100;
	v3 =	vperm.xlane v3, v2  }
0x38: {  	[tilespmem:s20], [sflag:$0x1] =	stream.indirect_vreg.gather [hbm4b:s3+s1], $0x80, v4, vm0, $0xb8;
	[tilespmem:$0x1C100] =	vst v63  }
0x39: {  	s21 =	simm.s32 $0x3900;
	v3 =	vadd.s32 v1, v3  }
0x3a: {  	[tilespmem:s21], [sflag:$0x1] =	stream.indirect_vreg.gather [hbm4b:s6+s1], $0x80, v4, vm0, $0xb8;
	[tilespmem:$0x1C100] =	vst v63  }
0x3b: {  	s22 =	simm.s32 $0x4100  }
0x3c: {  	[tilespmem:s22], [sflag:$0x1] =	stream.indirect_vreg.gather [hbm4b:s7+s1], $0x80, v4, vm0, $0xb8;
	[tilespmem:$0x1C100] =	vst v63  }
0x3d: {  	s25 =	simm.s32 $0x4900  }
0x3e: {  	[tilespmem:s25], [sflag:$0x1] =	stream.indirect_vreg.gather [hbm4b:s3+s1], $0x80, v3, vm0, $0xb8;
	[tilespmem:$0x1C100] =	vst v63  }
0x3f: {  	s26 =	simm.s32 $0x5100  }
0x40: {  	[tilespmem:s26], [sflag:$0x1] =	stream.indirect_vreg.gather [hbm4b:s6+s1], $0x80, v3, vm0, $0xb8;
	[tilespmem:$0x1C100] =	vst v63  }
0x41: {  	s28 =	simm.s32 $0x5900  }
0x42: {  	[tilespmem:s28], [sflag:$0x1] =	stream.indirect_vreg.gather [hbm4b:s7+s1], $0x80, v3, vm0, $0xb8;
	[tilespmem:$0x1C100] =	vst v63  }
0x43: {  	v3 =	vld [tilespmem:$0xA0];
	_ =	sdelay $0x4  }
0x44: {  	v34 =	vshrl.u32 v3, $0x3  }
0x45: {  	v4 =	vmul.u32 $0x30, v34  }
0x46: {  	v3 =	vand.u32 $0x7, v3  }
0x47: {  	v3 =	vor.u32 v3, v4  }
0x48: {  	v4 =	vperm.xlane v3, v0;
	_ =	sdelay $0x1  }
0x49: {  	v4 =	vadd.s32 v1, v4;
	_ =	sdelay $0x3  }
0x4a: {  	s29 =	simm.s32 $0x6100;
	v3 =	vperm.xlane v3, v2  }
0x4b: {  	[tilespmem:s29], [sflag:$0x1] =	stream.indirect_vreg.gather [hbm4b:s3+s1], $0x80, v4, vm0, $0xb8;
	[tilespmem:$0x1C100] =	vst v63  }
0x4c: {  	s30 =	simm.s32 $0x6900;
	v3 =	vadd.s32 v1, v3  }
0x4d: {  	[tilespmem:s30], [sflag:$0x1] =	stream.indirect_vreg.gather [hbm4b:s6+s1], $0x80, v4, vm0, $0xb8;
	[tilespmem:$0x1C100] =	vst v63  }
0x4e: {  	s31 =	simm.s32 $0x7100  }
0x4f: {  	[tilespmem:s31], [sflag:$0x1] =	stream.indirect_vreg.gather [hbm4b:s7+s1], $0x80, v4, vm0, $0xb8;
	[tilespmem:$0x1C100] =	vst v63  }
0x50: {  	s5 =	simm.s32 $0x7900  }
0x51: {  	[tilespmem:s5], [sflag:$0x1] =	stream.indirect_vreg.gather [hbm4b:s3+s1], $0x80, v3, vm0, $0xb8;
	[tilespmem:$0x1C100] =	vst v63  }
0x52: {  	s10 =	simm.s32 $0x8100  }
0x53: {  	[tilespmem:s10], [sflag:$0x1] =	stream.indirect_vreg.gather [hbm4b:s6+s1], $0x80, v3, vm0, $0xb8;
	[tilespmem:$0x1C100] =	vst v63  }
0x54: {  	s12 =	simm.s32 $0x8900  }
0x55: {  	[tilespmem:s12], [sflag:$0x1] =	stream.indirect_vreg.gather [hbm4b:s7+s1], $0x80, v3, vm0, $0xb8;
	[tilespmem:$0x1C100] =	vst v63  }
0x56: {  	v3 =	vld [tilespmem:$0xB0];
	_ =	sdelay $0x4  }
0x57: {  	v35 =	vshrl.u32 v3, $0x3  }
0x58: {  	v4 =	vmul.u32 $0x30, v35  }
0x59: {  	v3 =	vand.u32 $0x7, v3  }
0x5a: {  	v3 =	vor.u32 v3, v4  }
0x5b: {  	v4 =	vperm.xlane v3, v0;
	_ =	sdelay $0x1  }
0x5c: {  	v4 =	vadd.s32 v1, v4;
	_ =	sdelay $0x3  }
0x5d: {  	s14 =	simm.s32 $0x9100;
	v3 =	vperm.xlane v3, v2  }
0x5e: {  	[tilespmem:s14], [sflag:$0x1] =	stream.indirect_vreg.gather [hbm4b:s3+s1], $0x80, v4, vm0, $0xb8;
	[tilespmem:$0x1C100] =	vst v63  }
0x5f: {  	s15 =	simm.s32 $0x9900;
	v3 =	vadd.s32 v1, v3  }
0x60: {  	[tilespmem:s15], [sflag:$0x1] =	stream.indirect_vreg.gather [hbm4b:s6+s1], $0x80, v4, vm0, $0xb8;
	[tilespmem:$0x1C100] =	vst v63  }
0x61: {  	s16 =	simm.s32 $0xA100  }
0x62: {  	[tilespmem:s16], [sflag:$0x1] =	stream.indirect_vreg.gather [hbm4b:s7+s1], $0x80, v4, vm0, $0xb8;
	[tilespmem:$0x1C100] =	vst v63  }
0x63: {  	s17 =	simm.s32 $0xA900  }
0x64: {  	[tilespmem:s17], [sflag:$0x1] =	stream.indirect_vreg.gather [hbm4b:s3+s1], $0x80, v3, vm0, $0xb8;
	[tilespmem:$0x1C100] =	vst v63  }
0x65: {  	s18 =	simm.s32 $0xB100  }
0x66: {  	[tilespmem:s18], [sflag:$0x1] =	stream.indirect_vreg.gather [hbm4b:s6+s1], $0x80, v3, vm0, $0xb8;
	[tilespmem:$0x1C100] =	vst v63  }
0x67: {  	s25 =	simm.s32 $0xB900  }
0x68: {  	[tilespmem:s25], [sflag:$0x1] =	stream.indirect_vreg.gather [hbm4b:s7+s1], $0x80, v3, vm0, $0xb8;
	[tilespmem:$0x1C100] =	vst v63  }
0x69: {  	v3 =	vld [tilespmem:$0xC0];
	_ =	sdelay $0x4  }
0x6a: {  	v36 =	vshrl.u32 v3, $0x3  }
0x6b: {  	v4 =	vmul.u32 $0x30, v36  }
0x6c: {  	v3 =	vand.u32 $0x7, v3  }
0x6d: {  	v3 =	vor.u32 v3, v4  }
0x6e: {  	v4 =	vperm.xlane v3, v0;
	_ =	sdelay $0x1  }
0x6f: {  	v4 =	vadd.s32 v1, v4;
	_ =	sdelay $0x3  }
0x70: {  	s26 =	simm.s32 $0xC100;
	v3 =	vperm.xlane v3, v2  }
0x71: {  	[tilespmem:s26], [sflag:$0x1] =	stream.indirect_vreg.gather [hbm4b:s3+s1], $0x80, v4, vm0, $0xb8;
	[tilespmem:$0x1C100] =	vst v63  }
0x72: {  	s28 =	simm.s32 $0xC900;
	v3 =	vadd.s32 v1, v3  }
0x73: {  	[tilespmem:s28], [sflag:$0x1] =	stream.indirect_vreg.gather [hbm4b:s6+s1], $0x80, v4, vm0, $0xb8;
	[tilespmem:$0x1C100] =	vst v63  }
0x74: {  	s29 =	simm.s32 $0xD100  }
0x75: {  	[tilespmem:s29], [sflag:$0x1] =	stream.indirect_vreg.gather [hbm4b:s7+s1], $0x80, v4, vm0, $0xb8;
	[tilespmem:$0x1C100] =	vst v63  }
0x76: {  	s30 =	simm.s32 $0xD900  }
0x77: {  	[tilespmem:s30], [sflag:$0x1] =	stream.indirect_vreg.gather [hbm4b:s3+s1], $0x80, v3, vm0, $0xb8;
	[tilespmem:$0x1C100] =	vst v63  }
0x78: {  	s31 =	simm.s32 $0xE100  }
0x79: {  	[tilespmem:s31], [sflag:$0x1] =	stream.indirect_vreg.gather [hbm4b:s6+s1], $0x80, v3, vm0, $0xb8;
	[tilespmem:$0x1C100] =	vst v63  }
0x7a: {  	s12 =	simm.s32 $0xE900  }
0x7b: {  	[tilespmem:s12], [sflag:$0x1] =	stream.indirect_vreg.gather [hbm4b:s7+s1], $0x80, v3, vm0, $0xb8;
	[tilespmem:$0x1C100] =	vst v63  }
0x7c: {  	v3 =	vld [tilespmem:$0xD0];
	_ =	sdelay $0x4  }
0x7d: {  	v37 =	vshrl.u32 v3, $0x3  }
0x7e: {  	v4 =	vmul.u32 $0x30, v37  }
0x7f: {  	v3 =	vand.u32 $0x7, v3  }
0x80: {  	v3 =	vor.u32 v3, v4  }
0x81: {  	v4 =	vperm.xlane v3, v0;
	_ =	sdelay $0x1  }
0x82: {  	v4 =	vadd.s32 v1, v4;
	_ =	sdelay $0x3  }
0x83: {  	s14 =	simm.s32 $0xF100;
	v3 =	vperm.xlane v3, v2  }
0x84: {  	[tilespmem:s14], [sflag:$0x1] =	stream.indirect_vreg.gather [hbm4b:s3+s1], $0x80, v4, vm0, $0xb8;
	[tilespmem:$0x1C100] =	vst v63  }
0x85: {  	s15 =	simm.s32 $0xF900;
	v3 =	vadd.s32 v1, v3  }
0x86: {  	[tilespmem:s15], [sflag:$0x1] =	stream.indirect_vreg.gather [hbm4b:s6+s1], $0x80, v4, vm0, $0xb8;
	[tilespmem:$0x1C100] =	vst v63  }
0x87: {  	s16 =	simm.s32 $0x10100  }
0x88: {  	[tilespmem:s16], [sflag:$0x1] =	stream.indirect_vreg.gather [hbm4b:s7+s1], $0x80, v4, vm0, $0xb8;
	[tilespmem:$0x1C100] =	vst v63  }
0x89: {  	s17 =	simm.s32 $0x10900  }
0x8a: {  	[tilespmem:s17], [sflag:$0x1] =	stream.indirect_vreg.gather [hbm4b:s3+s1], $0x80, v3, vm0, $0xb8;
	[tilespmem:$0x1C100] =	vst v63  }
0x8b: {  	s18 =	simm.s32 $0x11100  }
0x8c: {  	[tilespmem:s18], [sflag:$0x1] =	stream.indirect_vreg.gather [hbm4b:s6+s1], $0x80, v3, vm0, $0xb8;
	[tilespmem:$0x1C100] =	vst v63  }
0x8d: {  	s25 =	simm.s32 $0x11900  }
0x8e: {  	[tilespmem:s25], [sflag:$0x1] =	stream.indirect_vreg.gather [hbm4b:s7+s1], $0x80, v3, vm0, $0xb8;
	[tilespmem:$0x1C100] =	vst v63  }
0x8f: {  	v3 =	vld [tilespmem:$0xE0];
	_ =	sdelay $0x4  }
0x90: {  	v38 =	vshrl.u32 v3, $0x3  }
0x91: {  	v4 =	vmul.u32 $0x30, v38  }
0x92: {  	v3 =	vand.u32 $0x7, v3  }
0x93: {  	v3 =	vor.u32 v3, v4  }
0x94: {  	v4 =	vperm.xlane v3, v0;
	_ =	sdelay $0x1  }
0x95: {  	v4 =	vadd.s32 v1, v4;
	_ =	sdelay $0x3  }
0x96: {  	s26 =	simm.s32 $0x12100;
	v3 =	vperm.xlane v3, v2  }
0x97: {  	[tilespmem:s26], [sflag:$0x1] =	stream.indirect_vreg.gather [hbm4b:s3+s1], $0x80, v4, vm0, $0xb8;
	[tilespmem:$0x1C100] =	vst v63  }
0x98: {  	s28 =	simm.s32 $0x12900;
	v3 =	vadd.s32 v1, v3  }
0x99: {  	[tilespmem:s28], [sflag:$0x1] =	stream.indirect_vreg.gather [hbm4b:s6+s1], $0x80, v4, vm0, $0xb8;
	[tilespmem:$0x1C100] =	vst v63  }
0x9a: {  	s29 =	simm.s32 $0x13100  }
0x9b: {  	[tilespmem:s29], [sflag:$0x1] =	stream.indirect_vreg.gather [hbm4b:s7+s1], $0x80, v4, vm0, $0xb8;
	[tilespmem:$0x1C100] =	vst v63  }
0x9c: {  	s30 =	simm.s32 $0x13900  }
0x9d: {  	[tilespmem:s30], [sflag:$0x1] =	stream.indirect_vreg.gather [hbm4b:s3+s1], $0x80, v3, vm0, $0xb8;
	[tilespmem:$0x1C100] =	vst v63  }
0x9e: {  	s31 =	simm.s32 $0x14100  }
0x9f: {  	[tilespmem:s31], [sflag:$0x1] =	stream.indirect_vreg.gather [hbm4b:s6+s1], $0x80, v3, vm0, $0xb8;
	[tilespmem:$0x1C100] =	vst v63  }
0xa0: {  	s17 =	simm.s32 $0x14900  }
0xa1: {  	[tilespmem:s17], [sflag:$0x1] =	stream.indirect_vreg.gather [hbm4b:s7+s1], $0x80, v3, vm0, $0xb8;
	[tilespmem:$0x1C100] =	vst v63  }
0xa2: {  	v3 =	vld [tilespmem:$0xF0];
	_ =	sdelay $0x4  }
0xa3: {  	v39 =	vshrl.u32 v3, $0x3  }
0xa4: {  	v4 =	vmul.u32 $0x30, v39  }
0xa5: {  	v3 =	vand.u32 $0x7, v3  }
0xa6: {  	v3 =	vor.u32 v3, v4  }
0xa7: {  	v4 =	vperm.xlane v3, v0;
	_ =	sdelay $0x1  }
0xa8: {  	v4 =	vadd.s32 v1, v4;
	_ =	sdelay $0x3  }
0xa9: {  	s18 =	simm.s32 $0x15100;
	v3 =	vperm.xlane v3, v2  }
0xaa: {  	[tilespmem:s18], [sflag:$0x1] =	stream.indirect_vreg.gather [hbm4b:s3+s1], $0x80, v4, vm0, $0xb8;
	[tilespmem:$0x1C100] =	vst v63  }
0xab: {  	s30 =	simm.s32 $0x15900;
	v3 =	vadd.s32 v1, v3  }
0xac: {  	[tilespmem:s30], [sflag:$0x1] =	stream.indirect_vreg.gather [hbm4b:s6+s1], $0x80, v4, vm0, $0xb8;
	[tilespmem:$0x1C100] =	vst v63  }
0xad: {  	s31 =	simm.s32 $0x16100  }
0xae: {  	[tilespmem:s31], [sflag:$0x1] =	stream.indirect_vreg.gather [hbm4b:s7+s1], $0x80, v4, vm0, $0xb8;
	[tilespmem:$0x1C100] =	vst v63  }
0xaf: {  	s0 =	simm.s32 $0x16900  }
0xb0: {  	[tilespmem:s0], [sflag:$0x1] =	stream.indirect_vreg.gather [hbm4b:s3+s1], $0x80, v3, vm0, $0xb8;
	[tilespmem:$0x1C100] =	vst v63  }
0xb1: {  	s0 =	simm.s32 $0x17100  }
0xb2: {  	[tilespmem:s0], [sflag:$0x1] =	stream.indirect_vreg.gather [hbm4b:s6+s1], $0x80, v3, vm0, $0xb8;
	[tilespmem:$0x1C100] =	vst v63  }
0xb3: {  	s0 =	simm.s32 $0x17900  }
0xb4: {  	[tilespmem:s0], [sflag:$0x1] =	stream.indirect_vreg.gather [hbm4b:s7+s1], $0x80, v3, vm0, $0xb8;
	[tilespmem:$0x1C100] =	vst v63  }
0xb5: {  	s0 =	simm.s32 $0x1  }
0xb6: {  	_ =	swait.ge [sflag:s0], $0x18000  }
0xb7: {  	[sflag:s0] =	ssyncset.done $0x0  }
0xb8: {  	[sflag:s0] =	ssyncadd.s32 $0xFFFE8000  }
0xb9: {  	v3 =	vld [tilespmem:$0x0];
	_ =	sdelay $0x4  }
0xba: {  	v40 =	vshrl.u32 v3, $0x3  }
0xbb: {  	v4 =	vmul.u32 $0x30, v40  }
0xbc: {  	v3 =	vand.u32 $0x7, v3  }
0xbd: {  	v3 =	vor.u32 v3, v4  }
0xbe: {  	v4 =	vperm.xlane v3, v0;
	_ =	sdelay $0x1  }
0xbf: {  	v4 =	vadd.s32 v1, v4;
	_ =	sdelay $0x3  }
0xc0: {  	s23 =	simm.s32 $0x100;
	v3 =	vperm.xlane v3, v2  }
0xc1: {  	[hbm4b:s4+s1] =	stream.indirect_vreg.scatter [tilespmem:s23], [sflag:$0x2], $0x80, v4, vm0, $0xb8;
	[tilespmem:$0x1C100] =	vst v63  }
0xc2: {  	v3 =	vadd.s32 v1, v3;
	s23 =	simm.s32 $0x900  }
0xc3: {  	[hbm4b:s8+s1] =	stream.indirect_vreg.scatter [tilespmem:s23], [sflag:$0x2], $0x80, v4, vm0, $0xb8;
	[tilespmem:$0x1C100] =	vst v63  }
0xc4: {  	s23 =	simm.s32 $0x1100  }
0xc5: {  	[hbm4b:s9+s1] =	stream.indirect_vreg.scatter [tilespmem:s23], [sflag:$0x2], $0x80, v4, vm0, $0xb8;
	[tilespmem:$0x1C100] =	vst v63  }
0xc6: {  	s23 =	simm.s32 $0x1900  }
0xc7: {  	[hbm4b:s4+s1] =	stream.indirect_vreg.scatter [tilespmem:s23], [sflag:$0x2], $0x80, v3, vm0, $0xb8;
	[tilespmem:$0x1C100] =	vst v63  }
0xc8: {  	s23 =	simm.s32 $0x2100  }
0xc9: {  	[hbm4b:s8+s1] =	stream.indirect_vreg.scatter [tilespmem:s23], [sflag:$0x2], $0x80, v3, vm0, $0xb8;
	[tilespmem:$0x1C100] =	vst v63  }
0xca: {  	s24 =	simm.s32 $0x2900  }
0xcb: {  	[hbm4b:s9+s1] =	stream.indirect_vreg.scatter [tilespmem:s24], [sflag:$0x2], $0x80, v3, vm0, $0xb8;
	[tilespmem:$0x1C100] =	vst v63  }
0xcc: {  	v3 =	vld [tilespmem:$0x10];
	_ =	sdelay $0x4  }
0xcd: {  	v41 =	vshrl.u32 v3, $0x3  }
0xce: {  	v4 =	vmul.u32 $0x30, v41  }
0xcf: {  	v3 =	vand.u32 $0x7, v3  }
0xd0: {  	v3 =	vor.u32 v3, v4  }
0xd1: {  	v4 =	vperm.xlane v3, v0;
	_ =	sdelay $0x1  }
0xd2: {  	v4 =	vadd.s32 v1, v4;
	_ =	sdelay $0x3  }
0xd3: {  	s2 =	simm.s32 $0x3100;
	v3 =	vperm.xlane v3, v2  }
0xd4: {  	[hbm4b:s4+s1] =	stream.indirect_vreg.scatter [tilespmem:s2], [sflag:$0x2], $0x80, v4, vm0, $0xb8;
	[tilespmem:$0x1C100] =	vst v63  }
0xd5: {  	s23 =	simm.s32 $0x3900;
	v3 =	vadd.s32 v1, v3  }
0xd6: {  	[hbm4b:s8+s1] =	stream.indirect_vreg.scatter [tilespmem:s23], [sflag:$0x2], $0x80, v4, vm0, $0xb8;
	[tilespmem:$0x1C100] =	vst v63  }
0xd7: {  	s24 =	simm.s32 $0x4100  }
0xd8: {  	[hbm4b:s9+s1] =	stream.indirect_vreg.scatter [tilespmem:s24], [sflag:$0x2], $0x80, v4, vm0, $0xb8;
	[tilespmem:$0x1C100] =	vst v63  }
0xd9: {  	s2 =	simm.s32 $0x4900  }
0xda: {  	[hbm4b:s4+s1] =	stream.indirect_vreg.scatter [tilespmem:s2], [sflag:$0x2], $0x80, v3, vm0, $0xb8;
	[tilespmem:$0x1C100] =	vst v63  }
0xdb: {  	s2 =	simm.s32 $0x5100  }
0xdc: {  	[hbm4b:s8+s1] =	stream.indirect_vreg.scatter [tilespmem:s2], [sflag:$0x2], $0x80, v3, vm0, $0xb8;
	[tilespmem:$0x1C100] =	vst v63  }
0xdd: {  	s19 =	simm.s32 $0x5900  }
0xde: {  	[hbm4b:s9+s1] =	stream.indirect_vreg.scatter [tilespmem:s19], [sflag:$0x2], $0x80, v3, vm0, $0xb8;
	[tilespmem:$0x1C100] =	vst v63  }
0xdf: {  	v3 =	vld [tilespmem:$0x20];
	_ =	sdelay $0x4  }
0xe0: {  	v42 =	vshrl.u32 v3, $0x3  }
0xe1: {  	v4 =	vmul.u32 $0x30, v42  }
0xe2: {  	v3 =	vand.u32 $0x7, v3  }
0xe3: {  	v3 =	vor.u32 v3, v4  }
0xe4: {  	v4 =	vperm.xlane v3, v0;
	_ =	sdelay $0x1  }
0xe5: {  	v4 =	vadd.s32 v1, v4;
	_ =	sdelay $0x3  }
0xe6: {  	s20 =	simm.s32 $0x6100;
	v3 =	vperm.xlane v3, v2  }
0xe7: {  	[hbm4b:s4+s1] =	stream.indirect_vreg.scatter [tilespmem:s20], [sflag:$0x2], $0x80, v4, vm0, $0xb8;
	[tilespmem:$0x1C100] =	vst v63  }
0xe8: {  	s19 =	simm.s32 $0x6900;
	v3 =	vadd.s32 v1, v3  }
0xe9: {  	[hbm4b:s8+s1] =	stream.indirect_vreg.scatter [tilespmem:s19], [sflag:$0x2], $0x80, v4, vm0, $0xb8;
	[tilespmem:$0x1C100] =	vst v63  }
0xea: {  	s20 =	simm.s32 $0x7100  }
0xeb: {  	[hbm4b:s9+s1] =	stream.indirect_vreg.scatter [tilespmem:s20], [sflag:$0x2], $0x80, v4, vm0, $0xb8;
	[tilespmem:$0x1C100] =	vst v63  }
0xec: {  	s19 =	simm.s32 $0x7900  }
0xed: {  	[hbm4b:s4+s1] =	stream.indirect_vreg.scatter [tilespmem:s19], [sflag:$0x2], $0x80, v3, vm0, $0xb8;
	[tilespmem:$0x1C100] =	vst v63  }
0xee: {  	s20 =	simm.s32 $0x8100  }
0xef: {  	[hbm4b:s8+s1] =	stream.indirect_vreg.scatter [tilespmem:s20], [sflag:$0x2], $0x80, v3, vm0, $0xb8;
	[tilespmem:$0x1C100] =	vst v63  }
0xf0: {  	s22 =	simm.s32 $0x8900  }
0xf1: {  	[hbm4b:s9+s1] =	stream.indirect_vreg.scatter [tilespmem:s22], [sflag:$0x2], $0x80, v3, vm0, $0xb8;
	[tilespmem:$0x1C100] =	vst v63  }
0xf2: {  	v3 =	vld [tilespmem:$0x30];
	_ =	sdelay $0x4  }
0xf3: {  	v43 =	vshrl.u32 v3, $0x3  }
0xf4: {  	v4 =	vmul.u32 $0x30, v43  }
0xf5: {  	v3 =	vand.u32 $0x7, v3  }
0xf6: {  	v3 =	vor.u32 v3, v4  }
0xf7: {  	v4 =	vperm.xlane v3, v0;
	_ =	sdelay $0x1  }
0xf8: {  	v4 =	vadd.s32 v1, v4;
	_ =	sdelay $0x3  }
0xf9: {  	s21 =	simm.s32 $0x9100;
	v3 =	vperm.xlane v3, v2  }
0xfa: {  	[hbm4b:s4+s1] =	stream.indirect_vreg.scatter [tilespmem:s21], [sflag:$0x2], $0x80, v4, vm0, $0xb8;
	[tilespmem:$0x1C100] =	vst v63  }
0xfb: {  	s19 =	simm.s32 $0x9900;
	v3 =	vadd.s32 v1, v3  }
0xfc: {  	[hbm4b:s8+s1] =	stream.indirect_vreg.scatter [tilespmem:s19], [sflag:$0x2], $0x80, v4, vm0, $0xb8;
	[tilespmem:$0x1C100] =	vst v63  }
0xfd: {  	s20 =	simm.s32 $0xA100  }
0xfe: {  	[hbm4b:s9+s1] =	stream.indirect_vreg.scatter [tilespmem:s20], [sflag:$0x2], $0x80, v4, vm0, $0xb8;
	[tilespmem:$0x1C100] =	vst v63  }
0xff: {  	s21 =	simm.s32 $0xA900  }
0x100: {  	[hbm4b:s4+s1] =	stream.indirect_vreg.scatter [tilespmem:s21], [sflag:$0x2], $0x80, v3, vm0, $0xb8;
	[tilespmem:$0x1C100] =	vst v63  }
0x101: {  	s22 =	simm.s32 $0xB100  }
0x102: {  	[hbm4b:s8+s1] =	stream.indirect_vreg.scatter [tilespmem:s22], [sflag:$0x2], $0x80, v3, vm0, $0xb8;
	[tilespmem:$0x1C100] =	vst v63  }
0x103: {  	s5 =	simm.s32 $0xB900  }
0x104: {  	[hbm4b:s9+s1] =	stream.indirect_vreg.scatter [tilespmem:s5], [sflag:$0x2], $0x80, v3, vm0, $0xb8;
	[tilespmem:$0x1C100] =	vst v63  }
0x105: {  	v3 =	vld [tilespmem:$0x40];
	_ =	sdelay $0x4  }
0x106: {  	v44 =	vshrl.u32 v3, $0x3  }
0x107: {  	v4 =	vmul.u32 $0x30, v44  }
0x108: {  	v3 =	vand.u32 $0x7, v3  }
0x109: {  	v3 =	vor.u32 v3, v4  }
0x10a: {  	v4 =	vperm.xlane v3, v0;
	_ =	sdelay $0x1  }
0x10b: {  	v4 =	vadd.s32 v1, v4;
	_ =	sdelay $0x3  }
0x10c: {  	s10 =	simm.s32 $0xC100;
	v3 =	vperm.xlane v3, v2  }
0x10d: {  	[hbm4b:s4+s1] =	stream.indirect_vreg.scatter [tilespmem:s10], [sflag:$0x2], $0x80, v4, vm0, $0xb8;
	[tilespmem:$0x1C100] =	vst v63  }
0x10e: {  	s5 =	simm.s32 $0xC900;
	v3 =	vadd.s32 v1, v3  }
0x10f: {  	[hbm4b:s8+s1] =	stream.indirect_vreg.scatter [tilespmem:s5], [sflag:$0x2], $0x80, v4, vm0, $0xb8;
	[tilespmem:$0x1C100] =	vst v63  }
0x110: {  	s10 =	simm.s32 $0xD100  }
0x111: {  	[hbm4b:s9+s1] =	stream.indirect_vreg.scatter [tilespmem:s10], [sflag:$0x2], $0x80, v4, vm0, $0xb8;
	[tilespmem:$0x1C100] =	vst v63  }
0x112: {  	s21 =	simm.s32 $0xD900  }
0x113: {  	[hbm4b:s4+s1] =	stream.indirect_vreg.scatter [tilespmem:s21], [sflag:$0x2], $0x80, v3, vm0, $0xb8;
	[tilespmem:$0x1C100] =	vst v63  }
0x114: {  	s22 =	simm.s32 $0xE100  }
0x115: {  	[hbm4b:s8+s1] =	stream.indirect_vreg.scatter [tilespmem:s22], [sflag:$0x2], $0x80, v3, vm0, $0xb8;
	[tilespmem:$0x1C100] =	vst v63  }
0x116: {  	s12 =	simm.s32 $0xE900  }
0x117: {  	[hbm4b:s9+s1] =	stream.indirect_vreg.scatter [tilespmem:s12], [sflag:$0x2], $0x80, v3, vm0, $0xb8;
	[tilespmem:$0x1C100] =	vst v63  }
0x118: {  	v3 =	vld [tilespmem:$0x50];
	_ =	sdelay $0x4  }
0x119: {  	v45 =	vshrl.u32 v3, $0x3  }
0x11a: {  	v4 =	vmul.u32 $0x30, v45  }
0x11b: {  	v3 =	vand.u32 $0x7, v3  }
0x11c: {  	v3 =	vor.u32 v3, v4  }
0x11d: {  	v4 =	vperm.xlane v3, v0;
	_ =	sdelay $0x1  }
0x11e: {  	v4 =	vadd.s32 v1, v4;
	_ =	sdelay $0x3  }
0x11f: {  	s14 =	simm.s32 $0xF100;
	v3 =	vperm.xlane v3, v2  }
0x120: {  	[hbm4b:s4+s1] =	stream.indirect_vreg.scatter [tilespmem:s14], [sflag:$0x2], $0x80, v4, vm0, $0xb8;
	[tilespmem:$0x1C100] =	vst v63  }
0x121: {  	s5 =	simm.s32 $0xF900;
	v3 =	vadd.s32 v1, v3  }
0x122: {  	[hbm4b:s8+s1] =	stream.indirect_vreg.scatter [tilespmem:s5], [sflag:$0x2], $0x80, v4, vm0, $0xb8;
	[tilespmem:$0x1C100] =	vst v63  }
0x123: {  	s10 =	simm.s32 $0x10100  }
0x124: {  	[hbm4b:s9+s1] =	stream.indirect_vreg.scatter [tilespmem:s10], [sflag:$0x2], $0x80, v4, vm0, $0xb8;
	[tilespmem:$0x1C100] =	vst v63  }
0x125: {  	s12 =	simm.s32 $0x10900  }
0x126: {  	[hbm4b:s4+s1] =	stream.indirect_vreg.scatter [tilespmem:s12], [sflag:$0x2], $0x80, v3, vm0, $0xb8;
	[tilespmem:$0x1C100] =	vst v63  }
0x127: {  	s14 =	simm.s32 $0x11100  }
0x128: {  	[hbm4b:s8+s1] =	stream.indirect_vreg.scatter [tilespmem:s14], [sflag:$0x2], $0x80, v3, vm0, $0xb8;
	[tilespmem:$0x1C100] =	vst v63  }
0x129: {  	s15 =	simm.s32 $0x11900  }
0x12a: {  	[hbm4b:s9+s1] =	stream.indirect_vreg.scatter [tilespmem:s15], [sflag:$0x2], $0x80, v3, vm0, $0xb8;
	[tilespmem:$0x1C100] =	vst v63  }
0x12b: {  	v3 =	vld [tilespmem:$0x60];
	_ =	sdelay $0x4  }
0x12c: {  	v46 =	vshrl.u32 v3, $0x3  }
0x12d: {  	v4 =	vmul.u32 $0x30, v46  }
0x12e: {  	v3 =	vand.u32 $0x7, v3  }
0x12f: {  	v3 =	vor.u32 v3, v4  }
0x130: {  	v4 =	vperm.xlane v3, v0;
	_ =	sdelay $0x1  }
0x131: {  	v4 =	vadd.s32 v1, v4;
	_ =	sdelay $0x3  }
0x132: {  	s16 =	simm.s32 $0x12100;
	v3 =	vperm.xlane v3, v2  }
0x133: {  	[hbm4b:s4+s1] =	stream.indirect_vreg.scatter [tilespmem:s16], [sflag:$0x2], $0x80, v4, vm0, $0xb8;
	[tilespmem:$0x1C100] =	vst v63  }
0x134: {  	s25 =	simm.s32 $0x12900;
	v3 =	vadd.s32 v1, v3  }
0x135: {  	[hbm4b:s8+s1] =	stream.indirect_vreg.scatter [tilespmem:s25], [sflag:$0x2], $0x80, v4, vm0, $0xb8;
	[tilespmem:$0x1C100] =	vst v63  }
0x136: {  	s26 =	simm.s32 $0x13100  }
0x137: {  	[hbm4b:s9+s1] =	stream.indirect_vreg.scatter [tilespmem:s26], [sflag:$0x2], $0x80, v4, vm0, $0xb8;
	[tilespmem:$0x1C100] =	vst v63  }
0x138: {  	s28 =	simm.s32 $0x13900  }
0x139: {  	[hbm4b:s4+s1] =	stream.indirect_vreg.scatter [tilespmem:s28], [sflag:$0x2], $0x80, v3, vm0, $0xb8;
	[tilespmem:$0x1C100] =	vst v63  }
0x13a: {  	s29 =	simm.s32 $0x14100  }
0x13b: {  	[hbm4b:s8+s1] =	stream.indirect_vreg.scatter [tilespmem:s29], [sflag:$0x2], $0x80, v3, vm0, $0xb8;
	[tilespmem:$0x1C100] =	vst v63  }
0x13c: {  	s17 =	simm.s32 $0x14900  }
0x13d: {  	[hbm4b:s9+s1] =	stream.indirect_vreg.scatter [tilespmem:s17], [sflag:$0x2], $0x80, v3, vm0, $0xb8;
	[tilespmem:$0x1C100] =	vst v63  }
0x13e: {  	v3 =	vld [tilespmem:$0x70];
	_ =	sdelay $0x4  }
0x13f: {  	v47 =	vshrl.u32 v3, $0x3  }
0x140: {  	v4 =	vmul.u32 $0x30, v47  }
0x141: {  	v3 =	vand.u32 $0x7, v3  }
0x142: {  	v3 =	vor.u32 v3, v4  }
0x143: {  	v4 =	vperm.xlane v3, v0;
	_ =	sdelay $0x1  }
0x144: {  	v4 =	vadd.s32 v1, v4;
	_ =	sdelay $0x3  }
0x145: {  	s18 =	simm.s32 $0x15100;
	v3 =	vperm.xlane v3, v2  }
0x146: {  	[hbm4b:s4+s1] =	stream.indirect_vreg.scatter [tilespmem:s18], [sflag:$0x2], $0x80, v4, vm0, $0xb8;
	[tilespmem:$0x1C100] =	vst v63  }
0x147: {  	s30 =	simm.s32 $0x15900;
	v3 =	vadd.s32 v1, v3  }
0x148: {  	[hbm4b:s8+s1] =	stream.indirect_vreg.scatter [tilespmem:s30], [sflag:$0x2], $0x80, v4, vm0, $0xb8;
	[tilespmem:$0x1C100] =	vst v63  }
0x149: {  	s31 =	simm.s32 $0x16100  }
0x14a: {  	[hbm4b:s9+s1] =	stream.indirect_vreg.scatter [tilespmem:s31], [sflag:$0x2], $0x80, v4, vm0, $0xb8;
	[tilespmem:$0x1C100] =	vst v63  }
0x14b: {  	s18 =	simm.s32 $0x16900  }
0x14c: {  	[hbm4b:s4+s1] =	stream.indirect_vreg.scatter [tilespmem:s18], [sflag:$0x2], $0x80, v3, vm0, $0xb8;
	[tilespmem:$0x1C100] =	vst v63  }
0x14d: {  	s21 =	simm.s32 $0x17100  }
0x14e: {  	[hbm4b:s8+s1] =	stream.indirect_vreg.scatter [tilespmem:s21], [sflag:$0x2], $0x80, v3, vm0, $0xb8;
	[tilespmem:$0x1C100] =	vst v63  }
0x14f: {  	s2 =	simm.s32 $0x2;
	s22 =	simm.s32 $0x17900  }
0x150: {  	[hbm4b:s9+s1] =	stream.indirect_vreg.scatter [tilespmem:s22], [sflag:$0x2], $0x80, v3, vm0, $0xb8;
	[tilespmem:$0x1C100] =	vst v63  }
0x151: {  	_ =	swait.ge [sflag:s2], $0x18000  }
0x152: {  	s5 =	simm.s32 $0x3;
	s25 =	simm.s32 $0x80;
	[sflag:s2] =	ssyncset.done $0x0  }
0x153: {  	s26 =	simm.s32 $0x18100;
	s22 =	rddreg [dreg:$0x8];
	[sflag:s2] =	ssyncadd.s32 $0xFFFE8000  }
0x154: {  	[hbm4b:s22+s25] =	stream.indirect.scatter [tilespmem:s26], [sflag:$0x3], $0x80, s1, s25, $0xb8;
	[tilespmem:$0x1C100] =	vst v63  }
0x155: {  	_ =	swait.ge [sflag:s5], $0x4000  }
0x156: {  	[sflag:s5] =	ssyncset.done $0x0  }
0x157: {  	s30 =	rddreg [dreg:$0x5];
	[sflag:s5] =	ssyncadd.s32 $0xFFFFC000  }
0x158: {  	[tilespmem:s1], [sflag:$0x4] =	stream.linear.gather [hbm4b:s30+s1], $0x80, $0x38;
	[tilespmem:$0x1C100] =	vst v63  }
0x159: {  	_ =	swait.ge [sflag:s11], $0x80  }
0x15a: {  	[sflag:s11] =	ssyncset.done $0x0  }
0x15b: {  	s31 =	rddreg [dreg:$0x6];
	[sflag:s11] =	ssyncadd.s32 $0xFFFFFF80  }
0x15c: {  	[tilespmem:s25], [sflag:$0x4] =	stream.linear.gather [hbm4b:s31+s1], $0x80, $0x38;
	[tilespmem:$0x1C100] =	vst v63  }
0x15d: {  	_ =	swait.ge [sflag:s11], $0x80  }
0x15e: {  	[sflag:s11] =	ssyncset.done $0x0  }
0x15f: {  	s10 =	rddreg [dreg:$0x7];
	[sflag:s11] =	ssyncadd.s32 $0xFFFFFF80  }
0x160: {  	[tilespmem:s26], [sflag:$0x4] =	stream.linear.gather [hbm4b:s10+s1], $0x4000, $0x38;
	[tilespmem:$0x1C100] =	vst v63  }
0x161: {  	_ =	swait.ge [sflag:s11], $0x4000  }
0x162: {  	[sflag:s11] =	ssyncset.done $0x0  }
0x163: {  	[sflag:s11] =	ssyncadd.s32 $0xFFFFC000  }
0x164: {  	v3 =	vld [tilespmem:$0x80];
	_ =	sdelay $0x4  }
0x165: {  	v48 =	vshrl.u32 v3, $0x3  }
0x166: {  	v4 =	vmul.u32 $0x30, v48  }
0x167: {  	v3 =	vand.u32 $0x7, v3  }
0x168: {  	v3 =	vor.u32 v3, v4  }
0x169: {  	v4 =	vperm.xlane v3, v0;
	_ =	sdelay $0x1  }
0x16a: {  	v4 =	vadd.s32 v1, v4;
	_ =	sdelay $0x3  }
0x16b: {  	s12 =	simm.s32 $0x100;
	v3 =	vperm.xlane v3, v2  }
0x16c: {  	[tilespmem:s12], [sflag:$0x1] =	stream.indirect_vreg.gather [hbm4b:s3+s1], $0x80, v4, vm0, $0xb8;
	[tilespmem:$0x1C100] =	vst v63  }
0x16d: {  	s14 =	simm.s32 $0x900;
	v3 =	vadd.s32 v1, v3  }
0x16e: {  	[tilespmem:s14], [sflag:$0x1] =	stream.indirect_vreg.gather [hbm4b:s6+s1], $0x80, v4, vm0, $0xb8;
	[tilespmem:$0x1C100] =	vst v63  }
0x16f: {  	s15 =	simm.s32 $0x1100  }
0x170: {  	[tilespmem:s15], [sflag:$0x1] =	stream.indirect_vreg.gather [hbm4b:s7+s1], $0x80, v4, vm0, $0xb8;
	[tilespmem:$0x1C100] =	vst v63  }
0x171: {  	s16 =	simm.s32 $0x1900  }
0x172: {  	[tilespmem:s16], [sflag:$0x1] =	stream.indirect_vreg.gather [hbm4b:s3+s1], $0x80, v3, vm0, $0xb8;
	[tilespmem:$0x1C100] =	vst v63  }
0x173: {  	s17 =	simm.s32 $0x2100  }
0x174: {  	[tilespmem:s17], [sflag:$0x1] =	stream.indirect_vreg.gather [hbm4b:s6+s1], $0x80, v3, vm0, $0xb8;
	[tilespmem:$0x1C100] =	vst v63  }
0x175: {  	s18 =	simm.s32 $0x2900  }
0x176: {  	[tilespmem:s18], [sflag:$0x1] =	stream.indirect_vreg.gather [hbm4b:s7+s1], $0x80, v3, vm0, $0xb8;
	[tilespmem:$0x1C100] =	vst v63  }
0x177: {  	v3 =	vld [tilespmem:$0x90];
	_ =	sdelay $0x4  }
0x178: {  	v49 =	vshrl.u32 v3, $0x3  }
0x179: {  	v4 =	vmul.u32 $0x30, v49  }
0x17a: {  	v3 =	vand.u32 $0x7, v3  }
0x17b: {  	v3 =	vor.u32 v3, v4  }
0x17c: {  	v4 =	vperm.xlane v3, v0;
	_ =	sdelay $0x1  }
0x17d: {  	v4 =	vadd.s32 v1, v4;
	_ =	sdelay $0x3  }
0x17e: {  	s21 =	simm.s32 $0x3100;
	v3 =	vperm.xlane v3, v2  }
0x17f: {  	[tilespmem:s21], [sflag:$0x1] =	stream.indirect_vreg.gather [hbm4b:s3+s1], $0x80, v4, vm0, $0xb8;
	[tilespmem:$0x1C100] =	vst v63  }
0x180: {  	s23 =	simm.s32 $0x3900;
	v3 =	vadd.s32 v1, v3  }
0x181: {  	[tilespmem:s23], [sflag:$0x1] =	stream.indirect_vreg.gather [hbm4b:s6+s1], $0x80, v4, vm0, $0xb8;
	[tilespmem:$0x1C100] =	vst v63  }
0x182: {  	s24 =	simm.s32 $0x4100  }
0x183: {  	[tilespmem:s24], [sflag:$0x1] =	stream.indirect_vreg.gather [hbm4b:s7+s1], $0x80, v4, vm0, $0xb8;
	[tilespmem:$0x1C100] =	vst v63  }
0x184: {  	s25 =	simm.s32 $0x4900  }
0x185: {  	[tilespmem:s25], [sflag:$0x1] =	stream.indirect_vreg.gather [hbm4b:s3+s1], $0x80, v3, vm0, $0xb8;
	[tilespmem:$0x1C100] =	vst v63  }
0x186: {  	s26 =	simm.s32 $0x5100  }
0x187: {  	[tilespmem:s26], [sflag:$0x1] =	stream.indirect_vreg.gather [hbm4b:s6+s1], $0x80, v3, vm0, $0xb8;
	[tilespmem:$0x1C100] =	vst v63  }
0x188: {  	s30 =	simm.s32 $0x5900  }
0x189: {  	[tilespmem:s30], [sflag:$0x1] =	stream.indirect_vreg.gather [hbm4b:s7+s1], $0x80, v3, vm0, $0xb8;
	[tilespmem:$0x1C100] =	vst v63  }
0x18a: {  	v3 =	vld [tilespmem:$0xA0];
	_ =	sdelay $0x4  }
0x18b: {  	v50 =	vshrl.u32 v3, $0x3  }
0x18c: {  	v4 =	vmul.u32 $0x30, v50  }
0x18d: {  	v3 =	vand.u32 $0x7, v3  }
0x18e: {  	v3 =	vor.u32 v3, v4  }
0x18f: {  	v4 =	vperm.xlane v3, v0;
	_ =	sdelay $0x1  }
0x190: {  	v4 =	vadd.s32 v1, v4;
	_ =	sdelay $0x3  }
0x191: {  	s31 =	simm.s32 $0x6100;
	v3 =	vperm.xlane v3, v2  }
0x192: {  	[tilespmem:s31], [sflag:$0x1] =	stream.indirect_vreg.gather [hbm4b:s3+s1], $0x80, v4, vm0, $0xb8;
	[tilespmem:$0x1C100] =	vst v63  }
0x193: {  	s12 =	simm.s32 $0x6900;
	v3 =	vadd.s32 v1, v3  }
0x194: {  	[tilespmem:s12], [sflag:$0x1] =	stream.indirect_vreg.gather [hbm4b:s6+s1], $0x80, v4, vm0, $0xb8;
	[tilespmem:$0x1C100] =	vst v63  }
0x195: {  	s14 =	simm.s32 $0x7100  }
0x196: {  	[tilespmem:s14], [sflag:$0x1] =	stream.indirect_vreg.gather [hbm4b:s7+s1], $0x80, v4, vm0, $0xb8;
	[tilespmem:$0x1C100] =	vst v63  }
0x197: {  	s15 =	simm.s32 $0x7900  }
0x198: {  	[tilespmem:s15], [sflag:$0x1] =	stream.indirect_vreg.gather [hbm4b:s3+s1], $0x80, v3, vm0, $0xb8;
	[tilespmem:$0x1C100] =	vst v63  }
0x199: {  	s16 =	simm.s32 $0x8100  }
0x19a: {  	[tilespmem:s16], [sflag:$0x1] =	stream.indirect_vreg.gather [hbm4b:s6+s1], $0x80, v3, vm0, $0xb8;
	[tilespmem:$0x1C100] =	vst v63  }
0x19b: {  	s17 =	simm.s32 $0x8900  }
0x19c: {  	[tilespmem:s17], [sflag:$0x1] =	stream.indirect_vreg.gather [hbm4b:s7+s1], $0x80, v3, vm0, $0xb8;
	[tilespmem:$0x1C100] =	vst v63  }
0x19d: {  	v3 =	vld [tilespmem:$0xB0];
	_ =	sdelay $0x4  }
0x19e: {  	v51 =	vshrl.u32 v3, $0x3  }
0x19f: {  	v4 =	vmul.u32 $0x30, v51  }
0x1a0: {  	v3 =	vand.u32 $0x7, v3  }
0x1a1: {  	v3 =	vor.u32 v3, v4  }
0x1a2: {  	v4 =	vperm.xlane v3, v0;
	_ =	sdelay $0x1  }
0x1a3: {  	v4 =	vadd.s32 v1, v4;
	_ =	sdelay $0x3  }
0x1a4: {  	s18 =	simm.s32 $0x9100;
	v3 =	vperm.xlane v3, v2  }
0x1a5: {  	[tilespmem:s18], [sflag:$0x1] =	stream.indirect_vreg.gather [hbm4b:s3+s1], $0x80, v4, vm0, $0xb8;
	[tilespmem:$0x1C100] =	vst v63  }
0x1a6: {  	s21 =	simm.s32 $0x9900;
	v3 =	vadd.s32 v1, v3  }
0x1a7: {  	[tilespmem:s21], [sflag:$0x1] =	stream.indirect_vreg.gather [hbm4b:s6+s1], $0x80, v4, vm0, $0xb8;
	[tilespmem:$0x1C100] =	vst v63  }
0x1a8: {  	s19 =	simm.s32 $0xA100  }
0x1a9: {  	[tilespmem:s19], [sflag:$0x1] =	stream.indirect_vreg.gather [hbm4b:s7+s1], $0x80, v4, vm0, $0xb8;
	[tilespmem:$0x1C100] =	vst v63  }
0x1aa: {  	s20 =	simm.s32 $0xA900  }
0x1ab: {  	[tilespmem:s20], [sflag:$0x1] =	stream.indirect_vreg.gather [hbm4b:s3+s1], $0x80, v3, vm0, $0xb8;
	[tilespmem:$0x1C100] =	vst v63  }
0x1ac: {  	s12 =	simm.s32 $0xB100  }
0x1ad: {  	[tilespmem:s12], [sflag:$0x1] =	stream.indirect_vreg.gather [hbm4b:s6+s1], $0x80, v3, vm0, $0xb8;
	[tilespmem:$0x1C100] =	vst v63  }
0x1ae: {  	s23 =	simm.s32 $0xB900  }
0x1af: {  	[tilespmem:s23], [sflag:$0x1] =	stream.indirect_vreg.gather [hbm4b:s7+s1], $0x80, v3, vm0, $0xb8;
	[tilespmem:$0x1C100] =	vst v63  }
0x1b0: {  	v3 =	vld [tilespmem:$0xC0];
	_ =	sdelay $0x4  }
0x1b1: {  	v52 =	vshrl.u32 v3, $0x3  }
0x1b2: {  	v4 =	vmul.u32 $0x30, v52  }
0x1b3: {  	v3 =	vand.u32 $0x7, v3  }
0x1b4: {  	v3 =	vor.u32 v3, v4  }
0x1b5: {  	v4 =	vperm.xlane v3, v0;
	_ =	sdelay $0x1  }
0x1b6: {  	v4 =	vadd.s32 v1, v4;
	_ =	sdelay $0x3  }
0x1b7: {  	s24 =	simm.s32 $0xC100;
	v3 =	vperm.xlane v3, v2  }
0x1b8: {  	[tilespmem:s24], [sflag:$0x1] =	stream.indirect_vreg.gather [hbm4b:s3+s1], $0x80, v4, vm0, $0xb8;
	[tilespmem:$0x1C100] =	vst v63  }
0x1b9: {  	s14 =	simm.s32 $0xC900;
	v3 =	vadd.s32 v1, v3  }
0x1ba: {  	[tilespmem:s14], [sflag:$0x1] =	stream.indirect_vreg.gather [hbm4b:s6+s1], $0x80, v4, vm0, $0xb8;
	[tilespmem:$0x1C100] =	vst v63  }
0x1bb: {  	s15 =	simm.s32 $0xD100  }
0x1bc: {  	[tilespmem:s15], [sflag:$0x1] =	stream.indirect_vreg.gather [hbm4b:s7+s1], $0x80, v4, vm0, $0xb8;
	[tilespmem:$0x1C100] =	vst v63  }
0x1bd: {  	s16 =	simm.s32 $0xD900  }
0x1be: {  	[tilespmem:s16], [sflag:$0x1] =	stream.indirect_vreg.gather [hbm4b:s3+s1], $0x80, v3, vm0, $0xb8;
	[tilespmem:$0x1C100] =	vst v63  }
0x1bf: {  	s17 =	simm.s32 $0xE100  }
0x1c0: {  	[tilespmem:s17], [sflag:$0x1] =	stream.indirect_vreg.gather [hbm4b:s6+s1], $0x80, v3, vm0, $0xb8;
	[tilespmem:$0x1C100] =	vst v63  }
0x1c1: {  	s25 =	simm.s32 $0xE900  }
0x1c2: {  	[tilespmem:s25], [sflag:$0x1] =	stream.indirect_vreg.gather [hbm4b:s7+s1], $0x80, v3, vm0, $0xb8;
	[tilespmem:$0x1C100] =	vst v63  }
0x1c3: {  	v3 =	vld [tilespmem:$0xD0];
	_ =	sdelay $0x4  }
0x1c4: {  	v53 =	vshrl.u32 v3, $0x3  }
0x1c5: {  	v4 =	vmul.u32 $0x30, v53  }
0x1c6: {  	v3 =	vand.u32 $0x7, v3  }
0x1c7: {  	v3 =	vor.u32 v3, v4  }
0x1c8: {  	v4 =	vperm.xlane v3, v0;
	_ =	sdelay $0x1  }
0x1c9: {  	v4 =	vadd.s32 v1, v4;
	_ =	sdelay $0x3  }
0x1ca: {  	s26 =	simm.s32 $0xF100;
	v3 =	vperm.xlane v3, v2  }
0x1cb: {  	[tilespmem:s26], [sflag:$0x1] =	stream.indirect_vreg.gather [hbm4b:s3+s1], $0x80, v4, vm0, $0xb8;
	[tilespmem:$0x1C100] =	vst v63  }
0x1cc: {  	s18 =	simm.s32 $0xF900;
	v3 =	vadd.s32 v1, v3  }
0x1cd: {  	[tilespmem:s18], [sflag:$0x1] =	stream.indirect_vreg.gather [hbm4b:s6+s1], $0x80, v4, vm0, $0xb8;
	[tilespmem:$0x1C100] =	vst v63  }
0x1ce: {  	s19 =	simm.s32 $0x10100  }
0x1cf: {  	[tilespmem:s19], [sflag:$0x1] =	stream.indirect_vreg.gather [hbm4b:s7+s1], $0x80, v4, vm0, $0xb8;
	[tilespmem:$0x1C100] =	vst v63  }
0x1d0: {  	s20 =	simm.s32 $0x10900  }
0x1d1: {  	[tilespmem:s20], [sflag:$0x1] =	stream.indirect_vreg.gather [hbm4b:s3+s1], $0x80, v3, vm0, $0xb8;
	[tilespmem:$0x1C100] =	vst v63  }
0x1d2: {  	s21 =	simm.s32 $0x11100  }
0x1d3: {  	[tilespmem:s21], [sflag:$0x1] =	stream.indirect_vreg.gather [hbm4b:s6+s1], $0x80, v3, vm0, $0xb8;
	[tilespmem:$0x1C100] =	vst v63  }
0x1d4: {  	s30 =	simm.s32 $0x11900  }
0x1d5: {  	[tilespmem:s30], [sflag:$0x1] =	stream.indirect_vreg.gather [hbm4b:s7+s1], $0x80, v3, vm0, $0xb8;
	[tilespmem:$0x1C100] =	vst v63  }
0x1d6: {  	v3 =	vld [tilespmem:$0xE0];
	_ =	sdelay $0x4  }
0x1d7: {  	v54 =	vshrl.u32 v3, $0x3  }
0x1d8: {  	v4 =	vmul.u32 $0x30, v54  }
0x1d9: {  	v3 =	vand.u32 $0x7, v3  }
0x1da: {  	v3 =	vor.u32 v3, v4  }
0x1db: {  	v4 =	vperm.xlane v3, v0;
	_ =	sdelay $0x1  }
0x1dc: {  	v4 =	vadd.s32 v1, v4;
	_ =	sdelay $0x3  }
0x1dd: {  	s31 =	simm.s32 $0x12100;
	v3 =	vperm.xlane v3, v2  }
0x1de: {  	[tilespmem:s31], [sflag:$0x1] =	stream.indirect_vreg.gather [hbm4b:s3+s1], $0x80, v4, vm0, $0xb8;
	[tilespmem:$0x1C100] =	vst v63  }
0x1df: {  	s23 =	simm.s32 $0x12900;
	v3 =	vadd.s32 v1, v3  }
0x1e0: {  	[tilespmem:s23], [sflag:$0x1] =	stream.indirect_vreg.gather [hbm4b:s6+s1], $0x80, v4, vm0, $0xb8;
	[tilespmem:$0x1C100] =	vst v63  }
0x1e1: {  	s24 =	simm.s32 $0x13100  }
0x1e2: {  	[tilespmem:s24], [sflag:$0x1] =	stream.indirect_vreg.gather [hbm4b:s7+s1], $0x80, v4, vm0, $0xb8;
	[tilespmem:$0x1C100] =	vst v63  }
0x1e3: {  	s25 =	simm.s32 $0x13900  }
0x1e4: {  	[tilespmem:s25], [sflag:$0x1] =	stream.indirect_vreg.gather [hbm4b:s3+s1], $0x80, v3, vm0, $0xb8;
	[tilespmem:$0x1C100] =	vst v63  }
0x1e5: {  	s26 =	simm.s32 $0x14100  }
0x1e6: {  	[tilespmem:s26], [sflag:$0x1] =	stream.indirect_vreg.gather [hbm4b:s6+s1], $0x80, v3, vm0, $0xb8;
	[tilespmem:$0x1C100] =	vst v63  }
0x1e7: {  	s28 =	simm.s32 $0x14900  }
0x1e8: {  	[tilespmem:s28], [sflag:$0x1] =	stream.indirect_vreg.gather [hbm4b:s7+s1], $0x80, v3, vm0, $0xb8;
	[tilespmem:$0x1C100] =	vst v63  }
0x1e9: {  	v3 =	vld [tilespmem:$0xF0];
	_ =	sdelay $0x4  }
0x1ea: {  	v55 =	vshrl.u32 v3, $0x3  }
0x1eb: {  	v4 =	vmul.u32 $0x30, v55  }
0x1ec: {  	v3 =	vand.u32 $0x7, v3  }
0x1ed: {  	v3 =	vor.u32 v3, v4  }
0x1ee: {  	v4 =	vperm.xlane v3, v0;
	_ =	sdelay $0x1  }
0x1ef: {  	v4 =	vadd.s32 v1, v4;
	_ =	sdelay $0x3  }
0x1f0: {  	s29 =	simm.s32 $0x15100;
	v3 =	vperm.xlane v3, v2  }
0x1f1: {  	[tilespmem:s29], [sflag:$0x1] =	stream.indirect_vreg.gather [hbm4b:s3+s1], $0x80, v4, vm0, $0xb8;
	[tilespmem:$0x1C100] =	vst v63  }
0x1f2: {  	s28 =	simm.s32 $0x15900;
	v3 =	vadd.s32 v1, v3  }
0x1f3: {  	[tilespmem:s28], [sflag:$0x1] =	stream.indirect_vreg.gather [hbm4b:s6+s1], $0x80, v4, vm0, $0xb8;
	[tilespmem:$0x1C100] =	vst v63  }
0x1f4: {  	s29 =	simm.s32 $0x16100  }
0x1f5: {  	[tilespmem:s29], [sflag:$0x1] =	stream.indirect_vreg.gather [hbm4b:s7+s1], $0x80, v4, vm0, $0xb8;
	[tilespmem:$0x1C100] =	vst v63  }
0x1f6: {  	s30 =	simm.s32 $0x16900  }
0x1f7: {  	[tilespmem:s30], [sflag:$0x1] =	stream.indirect_vreg.gather [hbm4b:s3+s1], $0x80, v3, vm0, $0xb8;
	[tilespmem:$0x1C100] =	vst v63  }
0x1f8: {  	s31 =	simm.s32 $0x17100  }
0x1f9: {  	[tilespmem:s31], [sflag:$0x1] =	stream.indirect_vreg.gather [hbm4b:s6+s1], $0x80, v3, vm0, $0xb8;
	[tilespmem:$0x1C100] =	vst v63  }
0x1fa: {  	s10 =	simm.s32 $0x17900  }
0x1fb: {  	[tilespmem:s10], [sflag:$0x1] =	stream.indirect_vreg.gather [hbm4b:s7+s1], $0x80, v3, vm0, $0xb8;
	[tilespmem:$0x1C100] =	vst v63  }
0x1fc: {  	_ =	swait.ge [sflag:s0], $0x18000  }
0x1fd: {  	[sflag:s0] =	ssyncset.done $0x0  }
0x1fe: {  	[sflag:s0] =	ssyncadd.s32 $0xFFFE8000  }
0x1ff: {  	v3 =	vld [tilespmem:$0x0];
	_ =	sdelay $0x4  }
0x200: {  	v56 =	vshrl.u32 v3, $0x3  }
0x201: {  	v4 =	vmul.u32 $0x30, v56  }
0x202: {  	v3 =	vand.u32 $0x7, v3  }
0x203: {  	v3 =	vor.u32 v3, v4  }
0x204: {  	v4 =	vperm.xlane v3, v0;
	_ =	sdelay $0x1  }
0x205: {  	v4 =	vadd.s32 v1, v4;
	_ =	sdelay $0x3  }
0x206: {  	s0 =	simm.s32 $0x100;
	v3 =	vperm.xlane v3, v2  }
0x207: {  	[hbm4b:s4+s1] =	stream.indirect_vreg.scatter [tilespmem:s0], [sflag:$0x2], $0x80, v4, vm0, $0xb8;
	[tilespmem:$0x1C100] =	vst v63  }
0x208: {  	v3 =	vadd.s32 v1, v3;
	s0 =	simm.s32 $0x900  }
0x209: {  	[hbm4b:s8+s1] =	stream.indirect_vreg.scatter [tilespmem:s0], [sflag:$0x2], $0x80, v4, vm0, $0xb8;
	[tilespmem:$0x1C100] =	vst v63  }
0x20a: {  	s0 =	simm.s32 $0x1100  }
0x20b: {  	[hbm4b:s9+s1] =	stream.indirect_vreg.scatter [tilespmem:s0], [sflag:$0x2], $0x80, v4, vm0, $0xb8;
	[tilespmem:$0x1C100] =	vst v63  }
0x20c: {  	s0 =	simm.s32 $0x1900  }
0x20d: {  	[hbm4b:s4+s1] =	stream.indirect_vreg.scatter [tilespmem:s0], [sflag:$0x2], $0x80, v3, vm0, $0xb8;
	[tilespmem:$0x1C100] =	vst v63  }
0x20e: {  	s0 =	simm.s32 $0x2100  }
0x20f: {  	[hbm4b:s8+s1] =	stream.indirect_vreg.scatter [tilespmem:s0], [sflag:$0x2], $0x80, v3, vm0, $0xb8;
	[tilespmem:$0x1C100] =	vst v63  }
0x210: {  	s0 =	simm.s32 $0x2900  }
0x211: {  	[hbm4b:s9+s1] =	stream.indirect_vreg.scatter [tilespmem:s0], [sflag:$0x2], $0x80, v3, vm0, $0xb8;
	[tilespmem:$0x1C100] =	vst v63  }
0x212: {  	v3 =	vld [tilespmem:$0x10];
	_ =	sdelay $0x4  }
0x213: {  	v57 =	vshrl.u32 v3, $0x3  }
0x214: {  	v4 =	vmul.u32 $0x30, v57  }
0x215: {  	v3 =	vand.u32 $0x7, v3  }
0x216: {  	v3 =	vor.u32 v3, v4  }
0x217: {  	v4 =	vperm.xlane v3, v0;
	_ =	sdelay $0x1  }
0x218: {  	v4 =	vadd.s32 v1, v4;
	_ =	sdelay $0x3  }
0x219: {  	s0 =	simm.s32 $0x3100;
	v3 =	vperm.xlane v3, v2  }
0x21a: {  	[hbm4b:s4+s1] =	stream.indirect_vreg.scatter [tilespmem:s0], [sflag:$0x2], $0x80, v4, vm0, $0xb8;
	[tilespmem:$0x1C100] =	vst v63  }
0x21b: {  	v3 =	vadd.s32 v1, v3;
	s0 =	simm.s32 $0x3900  }
0x21c: {  	[hbm4b:s8+s1] =	stream.indirect_vreg.scatter [tilespmem:s0], [sflag:$0x2], $0x80, v4, vm0, $0xb8;
	[tilespmem:$0x1C100] =	vst v63  }
0x21d: {  	s0 =	simm.s32 $0x4100  }
0x21e: {  	[hbm4b:s9+s1] =	stream.indirect_vreg.scatter [tilespmem:s0], [sflag:$0x2], $0x80, v4, vm0, $0xb8;
	[tilespmem:$0x1C100] =	vst v63  }
0x21f: {  	s0 =	simm.s32 $0x4900  }
0x220: {  	[hbm4b:s4+s1] =	stream.indirect_vreg.scatter [tilespmem:s0], [sflag:$0x2], $0x80, v3, vm0, $0xb8;
	[tilespmem:$0x1C100] =	vst v63  }
0x221: {  	s0 =	simm.s32 $0x5100  }
0x222: {  	[hbm4b:s8+s1] =	stream.indirect_vreg.scatter [tilespmem:s0], [sflag:$0x2], $0x80, v3, vm0, $0xb8;
	[tilespmem:$0x1C100] =	vst v63  }
0x223: {  	s0 =	simm.s32 $0x5900  }
0x224: {  	[hbm4b:s9+s1] =	stream.indirect_vreg.scatter [tilespmem:s0], [sflag:$0x2], $0x80, v3, vm0, $0xb8;
	[tilespmem:$0x1C100] =	vst v63  }
0x225: {  	v3 =	vld [tilespmem:$0x20];
	_ =	sdelay $0x4  }
0x226: {  	v58 =	vshrl.u32 v3, $0x3  }
0x227: {  	v4 =	vmul.u32 $0x30, v58  }
0x228: {  	v3 =	vand.u32 $0x7, v3  }
0x229: {  	v3 =	vor.u32 v3, v4  }
0x22a: {  	v4 =	vperm.xlane v3, v0;
	_ =	sdelay $0x1  }
0x22b: {  	v4 =	vadd.s32 v1, v4;
	_ =	sdelay $0x3  }
0x22c: {  	s0 =	simm.s32 $0x6100;
	v3 =	vperm.xlane v3, v2  }
0x22d: {  	[hbm4b:s4+s1] =	stream.indirect_vreg.scatter [tilespmem:s0], [sflag:$0x2], $0x80, v4, vm0, $0xb8;
	[tilespmem:$0x1C100] =	vst v63  }
0x22e: {  	v3 =	vadd.s32 v1, v3;
	s0 =	simm.s32 $0x6900  }
0x22f: {  	[hbm4b:s8+s1] =	stream.indirect_vreg.scatter [tilespmem:s0], [sflag:$0x2], $0x80, v4, vm0, $0xb8;
	[tilespmem:$0x1C100] =	vst v63  }
0x230: {  	s0 =	simm.s32 $0x7100  }
0x231: {  	[hbm4b:s9+s1] =	stream.indirect_vreg.scatter [tilespmem:s0], [sflag:$0x2], $0x80, v4, vm0, $0xb8;
	[tilespmem:$0x1C100] =	vst v63  }
0x232: {  	s0 =	simm.s32 $0x7900  }
0x233: {  	[hbm4b:s4+s1] =	stream.indirect_vreg.scatter [tilespmem:s0], [sflag:$0x2], $0x80, v3, vm0, $0xb8;
	[tilespmem:$0x1C100] =	vst v63  }
0x234: {  	s0 =	simm.s32 $0x8100  }
0x235: {  	[hbm4b:s8+s1] =	stream.indirect_vreg.scatter [tilespmem:s0], [sflag:$0x2], $0x80, v3, vm0, $0xb8;
	[tilespmem:$0x1C100] =	vst v63  }
0x236: {  	s0 =	simm.s32 $0x8900  }
0x237: {  	[hbm4b:s9+s1] =	stream.indirect_vreg.scatter [tilespmem:s0], [sflag:$0x2], $0x80, v3, vm0, $0xb8;
	[tilespmem:$0x1C100] =	vst v63  }
0x238: {  	v3 =	vld [tilespmem:$0x30];
	_ =	sdelay $0x4  }
0x239: {  	v59 =	vshrl.u32 v3, $0x3  }
0x23a: {  	v4 =	vmul.u32 $0x30, v59  }
0x23b: {  	v3 =	vand.u32 $0x7, v3  }
0x23c: {  	v3 =	vor.u32 v3, v4  }
0x23d: {  	v4 =	vperm.xlane v3, v0;
	_ =	sdelay $0x1  }
0x23e: {  	v4 =	vadd.s32 v1, v4;
	_ =	sdelay $0x3  }
0x23f: {  	s0 =	simm.s32 $0x9100;
	v3 =	vperm.xlane v3, v2  }
0x240: {  	[hbm4b:s4+s1] =	stream.indirect_vreg.scatter [tilespmem:s0], [sflag:$0x2], $0x80, v4, vm0, $0xb8;
	[tilespmem:$0x1C100] =	vst v63  }
0x241: {  	v3 =	vadd.s32 v1, v3;
	s0 =	simm.s32 $0x9900  }
0x242: {  	[hbm4b:s8+s1] =	stream.indirect_vreg.scatter [tilespmem:s0], [sflag:$0x2], $0x80, v4, vm0, $0xb8;
	[tilespmem:$0x1C100] =	vst v63  }
0x243: {  	s0 =	simm.s32 $0xA100  }
0x244: {  	[hbm4b:s9+s1] =	stream.indirect_vreg.scatter [tilespmem:s0], [sflag:$0x2], $0x80, v4, vm0, $0xb8;
	[tilespmem:$0x1C100] =	vst v63  }
0x245: {  	s0 =	simm.s32 $0xA900  }
0x246: {  	[hbm4b:s4+s1] =	stream.indirect_vreg.scatter [tilespmem:s0], [sflag:$0x2], $0x80, v3, vm0, $0xb8;
	[tilespmem:$0x1C100] =	vst v63  }
0x247: {  	_ = 	snop  }
0x248: {  	[hbm4b:s8+s1] =	stream.indirect_vreg.scatter [tilespmem:s12], [sflag:$0x2], $0x80, v3, vm0, $0xb8;
	[tilespmem:$0x1C100] =	vst v63  }
0x249: {  	s12 =	simm.s32 $0xB900  }
0x24a: {  	[hbm4b:s9+s1] =	stream.indirect_vreg.scatter [tilespmem:s12], [sflag:$0x2], $0x80, v3, vm0, $0xb8;
	[tilespmem:$0x1C100] =	vst v63  }
0x24b: {  	v3 =	vld [tilespmem:$0x40];
	_ =	sdelay $0x4  }
0x24c: {  	v60 =	vshrl.u32 v3, $0x3  }
0x24d: {  	v4 =	vmul.u32 $0x30, v60  }
0x24e: {  	v3 =	vand.u32 $0x7, v3  }
0x24f: {  	v3 =	vor.u32 v3, v4  }
0x250: {  	v4 =	vperm.xlane v3, v0;
	_ =	sdelay $0x1  }
0x251: {  	v4 =	vadd.s32 v1, v4;
	_ =	sdelay $0x3  }
0x252: {  	s12 =	simm.s32 $0xC100;
	v3 =	vperm.xlane v3, v2  }
0x253: {  	[hbm4b:s4+s1] =	stream.indirect_vreg.scatter [tilespmem:s12], [sflag:$0x2], $0x80, v4, vm0, $0xb8;
	[tilespmem:$0x1C100] =	vst v63  }
0x254: {  	v3 =	vadd.s32 v1, v3  }
0x255: {  	[hbm4b:s8+s1] =	stream.indirect_vreg.scatter [tilespmem:s14], [sflag:$0x2], $0x80, v4, vm0, $0xb8;
	[tilespmem:$0x1C100] =	vst v63  }
0x256: {  	_ = 	snop  }
0x257: {  	[hbm4b:s9+s1] =	stream.indirect_vreg.scatter [tilespmem:s15], [sflag:$0x2], $0x80, v4, vm0, $0xb8;
	[tilespmem:$0x1C100] =	vst v63  }
0x258: {  	_ = 	snop  }
0x259: {  	[hbm4b:s4+s1] =	stream.indirect_vreg.scatter [tilespmem:s16], [sflag:$0x2], $0x80, v3, vm0, $0xb8;
	[tilespmem:$0x1C100] =	vst v63  }
0x25a: {  	_ = 	snop  }
0x25b: {  	[hbm4b:s8+s1] =	stream.indirect_vreg.scatter [tilespmem:s17], [sflag:$0x2], $0x80, v3, vm0, $0xb8;
	[tilespmem:$0x1C100] =	vst v63  }
0x25c: {  	s16 =	simm.s32 $0xE900  }
0x25d: {  	[hbm4b:s9+s1] =	stream.indirect_vreg.scatter [tilespmem:s16], [sflag:$0x2], $0x80, v3, vm0, $0xb8;
	[tilespmem:$0x1C100] =	vst v63  }
0x25e: {  	v3 =	vld [tilespmem:$0x50];
	_ =	sdelay $0x4  }
0x25f: {  	v61 =	vshrl.u32 v3, $0x3  }
0x260: {  	v4 =	vmul.u32 $0x30, v61  }
0x261: {  	v3 =	vand.u32 $0x7, v3  }
0x262: {  	v3 =	vor.u32 v3, v4  }
0x263: {  	v4 =	vperm.xlane v3, v0;
	_ =	sdelay $0x1  }
0x264: {  	v4 =	vadd.s32 v1, v4;
	_ =	sdelay $0x3  }
0x265: {  	s17 =	simm.s32 $0xF100;
	v3 =	vperm.xlane v3, v2  }
0x266: {  	[hbm4b:s4+s1] =	stream.indirect_vreg.scatter [tilespmem:s17], [sflag:$0x2], $0x80, v4, vm0, $0xb8;
	[tilespmem:$0x1C100] =	vst v63  }
0x267: {  	v3 =	vadd.s32 v1, v3  }
0x268: {  	[hbm4b:s8+s1] =	stream.indirect_vreg.scatter [tilespmem:s18], [sflag:$0x2], $0x80, v4, vm0, $0xb8;
	[tilespmem:$0x1C100] =	vst v63  }
0x269: {  	_ = 	snop  }
0x26a: {  	[hbm4b:s9+s1] =	stream.indirect_vreg.scatter [tilespmem:s19], [sflag:$0x2], $0x80, v4, vm0, $0xb8;
	[tilespmem:$0x1C100] =	vst v63  }
0x26b: {  	_ = 	snop  }
0x26c: {  	[hbm4b:s4+s1] =	stream.indirect_vreg.scatter [tilespmem:s20], [sflag:$0x2], $0x80, v3, vm0, $0xb8;
	[tilespmem:$0x1C100] =	vst v63  }
0x26d: {  	_ = 	snop  }
0x26e: {  	[hbm4b:s8+s1] =	stream.indirect_vreg.scatter [tilespmem:s21], [sflag:$0x2], $0x80, v3, vm0, $0xb8;
	[tilespmem:$0x1C100] =	vst v63  }
0x26f: {  	s20 =	simm.s32 $0x11900  }
0x270: {  	[hbm4b:s9+s1] =	stream.indirect_vreg.scatter [tilespmem:s20], [sflag:$0x2], $0x80, v3, vm0, $0xb8;
	[tilespmem:$0x1C100] =	vst v63  }
0x271: {  	v3 =	vld [tilespmem:$0x60];
	_ =	sdelay $0x4  }
0x272: {  	v62 =	vshrl.u32 v3, $0x3  }
0x273: {  	v4 =	vmul.u32 $0x30, v62  }
0x274: {  	v3 =	vand.u32 $0x7, v3  }
0x275: {  	v3 =	vor.u32 v3, v4  }
0x276: {  	v4 =	vperm.xlane v3, v0;
	_ =	sdelay $0x1  }
0x277: {  	v4 =	vadd.s32 v1, v4;
	_ =	sdelay $0x3  }
0x278: {  	s21 =	simm.s32 $0x12100;
	v3 =	vperm.xlane v3, v2  }
0x279: {  	[hbm4b:s4+s1] =	stream.indirect_vreg.scatter [tilespmem:s21], [sflag:$0x2], $0x80, v4, vm0, $0xb8;
	[tilespmem:$0x1C100] =	vst v63  }
0x27a: {  	v3 =	vadd.s32 v1, v3  }
0x27b: {  	[hbm4b:s8+s1] =	stream.indirect_vreg.scatter [tilespmem:s23], [sflag:$0x2], $0x80, v4, vm0, $0xb8;
	[tilespmem:$0x1C100] =	vst v63  }
0x27c: {  	_ = 	snop  }
0x27d: {  	[hbm4b:s9+s1] =	stream.indirect_vreg.scatter [tilespmem:s24], [sflag:$0x2], $0x80, v4, vm0, $0xb8;
	[tilespmem:$0x1C100] =	vst v63  }
0x27e: {  	_ = 	snop  }
0x27f: {  	[hbm4b:s4+s1] =	stream.indirect_vreg.scatter [tilespmem:s25], [sflag:$0x2], $0x80, v3, vm0, $0xb8;
	[tilespmem:$0x1C100] =	vst v63  }
0x280: {  	_ = 	snop  }
0x281: {  	[hbm4b:s8+s1] =	stream.indirect_vreg.scatter [tilespmem:s26], [sflag:$0x2], $0x80, v3, vm0, $0xb8;
	[tilespmem:$0x1C100] =	vst v63  }
0x282: {  	s25 =	simm.s32 $0x14900  }
0x283: {  	[hbm4b:s9+s1] =	stream.indirect_vreg.scatter [tilespmem:s25], [sflag:$0x2], $0x80, v3, vm0, $0xb8;
	[tilespmem:$0x1C100] =	vst v63  }
0x284: {  	v3 =	vld [tilespmem:$0x70];
	_ =	sdelay $0x4  }
0x285: {  	v63 =	vshrl.u32 v3, $0x3  }
0x286: {  	v4 =	vmul.u32 $0x30, v63  }
0x287: {  	v3 =	vand.u32 $0x7, v3  }
0x288: {  	v3 =	vor.u32 v3, v4  }
0x289: {  	v4 =	vperm.xlane v3, v0;
	_ =	sdelay $0x1  }
0x28a: {  	v4 =	vadd.s32 v1, v4;
	_ =	sdelay $0x3  }
0x28b: {  	s26 =	simm.s32 $0x15100;
	v3 =	vperm.xlane v3, v2  }
0x28c: {  	[hbm4b:s4+s1] =	stream.indirect_vreg.scatter [tilespmem:s26], [sflag:$0x2], $0x80, v4, vm0, $0xb8;
	[tilespmem:$0x1C100] =	vst v63  }
0x28d: {  	v3 =	vadd.s32 v1, v3  }
0x28e: {  	[hbm4b:s8+s1] =	stream.indirect_vreg.scatter [tilespmem:s28], [sflag:$0x2], $0x80, v4, vm0, $0xb8;
	[tilespmem:$0x1C100] =	vst v63  }
0x28f: {  	_ = 	snop  }
0x290: {  	[hbm4b:s9+s1] =	stream.indirect_vreg.scatter [tilespmem:s29], [sflag:$0x2], $0x80, v4, vm0, $0xb8;
	[tilespmem:$0x1C100] =	vst v63  }
0x291: {  	_ = 	snop  }
0x292: {  	[hbm4b:s4+s1] =	stream.indirect_vreg.scatter [tilespmem:s30], [sflag:$0x2], $0x80, v3, vm0, $0xb8;
	[tilespmem:$0x1C100] =	vst v63  }
0x293: {  	_ = 	snop  }
0x294: {  	[hbm4b:s8+s1] =	stream.indirect_vreg.scatter [tilespmem:s31], [sflag:$0x2], $0x80, v3, vm0, $0xb8;
	[tilespmem:$0x1C100] =	vst v63  }
0x295: {  	_ = 	snop  }
0x296: {  	[hbm4b:s9+s1] =	stream.indirect_vreg.scatter [tilespmem:s10], [sflag:$0x2], $0x80, v3, vm0, $0xb8;
	[tilespmem:$0x1C100] =	vst v63  }
0x297: {  	_ =	swait.ge [sflag:s2], $0x18000  }
0x298: {  	p0 =	sne.s32 s13, $0x1;
	s30 =	simm.s32 $0x80;
	[sflag:s2] =	ssyncset.done $0x0  }
.Ltmp0:
0x299: {  	s31 =	simm.s32 $0x18100;
	[sflag:s2] =	ssyncadd.s32 $0xFFFE8000;
	(pc) =	sbr.rel @p0 .LBB2_1-.Ltmp0, $4  }
0x29a: {  	[hbm4b:s22+s30] =	stream.indirect.scatter [tilespmem:s31], [sflag:$0x3], $0x80, s1, s30, $0xb8;
	[tilespmem:$0x1C100] =	vst v63  }
0x29b: {  	_ =	swait.ge [sflag:s5], $0x4000  }
0x29c: {  	[sflag:s5] =	ssyncset.done $0x0  }
0x29d: {  	s13 =	sadd.s32 $0xFFFFFFFF, s13;
	[sflag:s5] =	ssyncadd.s32 $0xFFFFC000  }
0x29e: {  	_ =	sfence.sel $0x180000  }
0x29f: {  	[bflag:$0x0] =	sbarrier.arrive $0xFFFF  }
0x2a0: {  	_ =	strace $0x90000047  }
0x2a1: {  	s0 =	stileid.u32;
	[bflag:$0x2] =	sbarrier.arrive $0xFFFF  }
0x2a2: {  	p0 =	sne.s32 s0, $0x0;
	s0 =	rddreg [dreg:$0x1]  }
0x2a3: {  	s0 =	sadd.s32 @!p0 $0x100000, s0  }
0x2a4: {  	[sflag:s0] =	ssyncadd.tile.s32 @!p0 $0x1;
	_ =	shalt  }
.Lfunc_end2:
_tile_overlayer_lowered:
.L_overlay_start_2:
0x2a5: {  	(tag) =	ssettag $0x2  }
0x2a6: {  	s0 =	rddreg [dreg:$0x0];
	s2 =	stileid.u32  }
0x2a7: {  	s1 =	rddreg [dreg:$0x1];
	p0 =	sne.s32 s2, $0x0  }
0x2a8: {  	s3 =	rddreg [dreg:$0x2];
	[bflag:$0x3] =	sbarrier.arrive $0xFFFF;
	s2 =	simm.s32 @!p0 $0x1C04  }
0x2a9: {  	[timem:s3], [sflag:s2] =	dma.local @!p0 [hbm:s0], s1  }
0x2aa: {  	s0 =	simm.s32 @!p0 $0x4  }
0x2ab: {  	_ =	swait.ge @!p0 [sflag:s0], s1  }
0x2ac: {  	s1 =	ssub.s32 @!p0 $0x0, s1;
	[sflag:s0] =	ssyncset.done @!p0 $0x0  }
0x2ad: {  	[sflag:s0] =	ssyncadd.s32 @!p0 s1  }
0x2ae: {  	[bflag:$0x3] =	sbarrier.arrive $0xFFFF  }
0x2af: {  	_ =	shalt  }

</sc_bundles>
